<compile_context>
chip_gen: v7x
topology: tpu7x:2x2x1
jax: 0.10.2.dev20260603
libtpu: 0.0.44.dev20260713+nightly
codegen_flags: <defaults>
</compile_context>

<pallas_src>
import functools

import jax
import jax.numpy as jnp
from jax import lax
from jax.experimental import pallas as pl
from jax.experimental.pallas import tpu as pltpu
from jax.experimental.pallas import tpu_sc as plsc

_V = 100000
_S, _F = 26, 16
_D = _S * _F
_B = 16384
_NC, _NS = 2, 16
_NW = _NC * _NS
_PPW = _D // _NW
_L = 16
_CB = 4096
_NCB = _B // _CB


def _plane_body(table_hbm, idx_hbm, out_hbm,
                idx_sh, idx_v, plane_v, out0, out1, semp, semw0, semw1):
    cid = lax.axis_index("c")
    sid = lax.axis_index("s")
    wid = sid * _NC + cid
    p0 = wid * _PPW
    first = pltpu.async_copy(table_hbm.at[p0 // 8, p0 % 8], plane_v, semp)

    @pl.when(sid == 0)
    def _():
        pltpu.sync_copy(idx_hbm, idx_sh)

    plsc.subcore_barrier()
    pltpu.sync_copy(idx_sh, idx_v)
    first.wait()
    outs = (out0, out1)
    sems = (semw0, semw1)

    def plane_loop(j, _):
        p = wid * _PPW + j
        r = p // 8
        f = p % 8

        @pl.when(j > 0)
        def _():
            pltpu.sync_copy(table_hbm.at[r, f], plane_v)

        writes = [None, None]
        for c in range(_NCB):
            ob = outs[c % 2]
            if writes[c % 2] is not None:
                writes[c % 2].wait()

            @plsc.parallel_loop(0, _CB, step=_L, unroll=16)
            def _gather(i):
                vidx = idx_v[pl.ds(c * _CB + i, _L)]
                ob[pl.ds(i, _L)] = plsc.load_gather(plane_v, [vidx])

            writes[c % 2] = pltpu.async_copy(
                ob, out_hbm.at[r, f, pl.ds(c * _CB, _CB)], sems[c % 2])
        writes[0].wait()
        writes[1].wait()
        return 0

    lax.fori_loop(0, _PPW, plane_loop, 0)


def _sc_gather(table3d, idx):
    mesh = plsc.VectorSubcoreMesh(core_axis_name="c", subcore_axis_name="s")
    run = functools.partial(
        pl.kernel,
        mesh=mesh,
        out_type=jax.ShapeDtypeStruct((_D // 8, 8, _B), jnp.float32),
        scratch_types=[
            pltpu.VMEM_SHARED((_B,), jnp.int32),
            pltpu.VMEM((_B,), jnp.int32),
            pltpu.VMEM((_V,), jnp.float32),
            pltpu.VMEM((_CB,), jnp.float32),
            pltpu.VMEM((_CB,), jnp.float32),
            pltpu.SemaphoreType.DMA,
            pltpu.SemaphoreType.DMA,
            pltpu.SemaphoreType.DMA,
        ],
        compiler_params=pltpu.CompilerParams(
            use_tc_tiling_on_sc=True, needs_layout_passes=False),
    )(_plane_body)
    return run(table3d, idx)


def kernel(input_, position, indices):
    idx = (indices[0] * (position - 2)).astype(jnp.int32)
    table3d = input_.transpose(1, 2, 0).reshape(_D // 8, 8, _V)
    out = _sc_gather(table3d, idx)
    return out.reshape(_S, _F, _B).transpose(2, 0, 1)

# --- scband reference (transcript-rebuilt; emitter-appended) ---
"""Pipeline reference for scband-index-tensor-ellipsis-60387240182420 (READ-ONLY COPY).

The authoritative reference and input builder live on the scoring server;
editing this copy changes nothing except your own understanding.
"""

import jax, jax.numpy as jnp
import numpy as np


def setup_inputs(seed: int = 0) -> dict:
    key = jax.random.key(seed)
    k1, k2 = jax.random.split(key)
    input_ = jax.random.normal(k1, (100000, 26, 16), dtype=jnp.float32)
    position = 3  # OpPlacement.AFTER
    indices = jax.random.randint(k2, (1, 16384), 0, 100000, dtype=jnp.int32)
    return {"input_": input_, "position": position, "indices": indices}


def reference(input_, position, indices):
    # Faithful translation of IndexTensor_Ellipsis.forward.
    # `indices` is a stacked tensor; indices[0] recovers the first index tensor
    # (mirrors the tuple indexing in the torch module).
    # position is always 3 (AFTER: input_[indices[0], ...]); the other
    # placements produce differently shaped outputs, so the branch is
    # resolved statically. (position - 2) == 1 for the constant placement,
    # keeping the traced dependence on `position` in the computation.
    idx = indices[0] * (position - 2)
    return jnp.take(input_, idx, axis=0)

if __name__ == "__main__":
    import jax
    _d = setup_inputs()
    print(jax.jit(kernel)(*tuple(_d.values())))

</pallas_src>

<mosaic_0001>
#map = affine_map<(d0, d1) -> (0, 0, 0)>
#map1 = affine_map<(d0, d1) -> (0)>
module attributes {stable_mosaic.version = 14 : i64} {
  func.func @_plane_body(%arg0: i32, %arg1: i32, %arg2: memref<52x8x100000xf32, #tpu.memory_space<hbm>>, %arg3: memref<16384xi32, #tpu.memory_space<hbm>>, %arg4: memref<52x8x16384xf32, #tpu.memory_space<hbm>>, %arg5: memref<16384xi32, #tpu.memory_space<vmem_shared>>, %arg6: memref<16384xi32, #tpu.memory_space<vmem>>, %arg7: memref<100000xf32, #tpu.memory_space<vmem>>, %arg8: memref<4096xf32, #tpu.memory_space<vmem>>, %arg9: memref<4096xf32, #tpu.memory_space<vmem>>, %arg10: memref<!tpu.dma_semaphore, #tpu.memory_space<semaphore_mem>>, %arg11: memref<!tpu.dma_semaphore, #tpu.memory_space<semaphore_mem>>, %arg12: memref<!tpu.dma_semaphore, #tpu.memory_space<semaphore_mem>>) attributes {dimension_semantics = [#tpu.dimension_semantics<core_parallel>, #tpu.dimension_semantics<subcore_parallel>], iteration_bounds = array<i64: 2, 16>, scalar_prefetch = 0 : i64, scratch_operands = 8 : i64, tpu.core_type = #tpu.core_type<sc_vector_subcore>, window_params = [{transform_indices = #map}, {transform_indices = #map1}, {transform_indices = #map}]} {
    %mul3A = arith.constant 2 : i32
    %mul3A_0 = arith.muli %arg1, %mul3A : i32
    %add3A = arith.addi %mul3A_0, %arg0 : i32
    %mul3A_1 = arith.constant 13 : i32
    %mul3A_2 = arith.muli %add3A, %mul3A_1 : i32
    %jit3A = arith.constant 8 : i32
    %div3A = arith.divsi %mul3A_2, %jit3A : i32
    %sign3A = arith.constant 0 : i32
    %sign3A_3 = arith.cmpi sgt, %mul3A_2, %sign3A : i32
    %sign3A_4 = arith.extui %sign3A_3 : i1 to i32
    %sign3A_5 = arith.constant 0 : i32
    %sign3A_6 = arith.cmpi slt, %mul3A_2, %sign3A_5 : i32
    %sign3A_7 = arith.extui %sign3A_6 : i1 to i32
    %sign3A_8 = arith.subi %sign3A_4, %sign3A_7 : i32
    %sign3A_9 = arith.constant 0 : i32
    %sign3A_10 = arith.cmpi sgt, %jit3A, %sign3A_9 : i32
    %sign3A_11 = arith.extui %sign3A_10 : i1 to i32
    %sign3A_12 = arith.constant 0 : i32
    %sign3A_13 = arith.cmpi slt, %jit3A, %sign3A_12 : i32
    %sign3A_14 = arith.extui %sign3A_13 : i1 to i32
    %sign3A_15 = arith.subi %sign3A_11, %sign3A_14 : i32
    %ne3A = arith.cmpi ne, %sign3A_8, %sign3A_15 : i32
    %rem3A = arith.remsi %mul3A_2, %jit3A : i32
    %ne3A_16 = arith.constant 0 : i32
    %ne3A_17 = arith.cmpi ne, %rem3A, %ne3A_16 : i32
    %and3A = arith.andi %ne3A, %ne3A_17 : i1
    %sub3A = arith.constant 1 : i32
    %sub3A_18 = arith.subi %div3A, %sub3A : i32
    %select_n3A = arith.select %and3A, %sub3A_18, %div3A : i32
    %jit3A_19 = arith.constant 8 : i32
    %eq3A = arith.constant 0 : i32
    %eq3A_20 = arith.cmpi eq, %jit3A_19, %eq3A : i32
    %jit3A_21 = arith.constant 1 : i32
    %select_n3A_22 = arith.select %eq3A_20, %jit3A_21, %jit3A_19 : i32
    %rem3A_23 = arith.remsi %mul3A_2, %select_n3A_22 : i32
    %ne3A_24 = arith.constant 0 : i32
    %ne3A_25 = arith.cmpi ne, %rem3A_23, %ne3A_24 : i32
    %lt3A = arith.constant 0 : i32
    %lt3A_26 = arith.cmpi slt, %rem3A_23, %lt3A : i32
    %lt3A_27 = arith.constant 0 : i32
    %lt3A_28 = arith.cmpi slt, %select_n3A_22, %lt3A_27 : i32
    %ne3A_29 = arith.xori %lt3A_26, %lt3A_28 : i1
    %and3A_30 = arith.andi %ne3A_29, %ne3A_25 : i1
    %add3A_31 = arith.addi %rem3A_23, %select_n3A_22 : i32
    %select_n3A_32 = arith.select %and3A_30, %add3A_31, %rem3A_23 : i32
    %dma_start3A = arith.constant 0 : i32
    %dma_start3A_33 = tpu.memref_slice %arg2[%select_n3A, %select_n3A_32, %dma_start3A] : memref<52x8x100000xf32, #tpu.memory_space<hbm>> -> memref<1x1x100000xf32, #tpu.memory_space<hbm>>
    %dma_start3A_34 = tpu.memref_squeeze %dma_start3A_33 : memref<1x1x100000xf32, #tpu.memory_space<hbm>> -> memref<100000xf32, #tpu.memory_space<hbm>>
    %dma_start3A_35 = arith.constant 0 : i32
    %dma_start3A_36 = tpu.memref_slice %arg2[%select_n3A, %select_n3A_32, %dma_start3A_35] : memref<52x8x100000xf32, #tpu.memory_space<hbm>> -> memref<1x1x100000xf32, #tpu.memory_space<hbm>>
    %dma_start3A_37 = tpu.memref_squeeze %dma_start3A_36 : memref<1x1x100000xf32, #tpu.memory_space<hbm>> -> memref<100000xf32, #tpu.memory_space<hbm>>
    tpu.enqueue_dma source(%dma_start3A_37 : memref<100000xf32, #tpu.memory_space<hbm>>) target(%arg7 : memref<100000xf32, #tpu.memory_space<vmem>>) target_semaphore(%arg10 : memref<!tpu.dma_semaphore, #tpu.memory_space<semaphore_mem>>)
    %eq3A_38 = arith.constant 0 : i32
    %eq3A_39 = arith.cmpi eq, %arg1, %eq3A_38 : i32
    %convert_element_type3A = arith.extui %eq3A_39 : i1 to i32
    %cond3A = arith.constant 0 : i32
    %cond3A_40 = arith.cmpi ne, %convert_element_type3A, %cond3A : i32
    scf.if %cond3A_40 {
      "tpu.region"() ({
        %run_scoped3A = tpu.sem_alloc : memref<!tpu.dma_semaphore, #tpu.memory_space<semaphore_mem>>
        tpu.enqueue_dma source(%arg3 : memref<16384xi32, #tpu.memory_space<hbm>>) target(%arg5 : memref<16384xi32, #tpu.memory_space<vmem_shared>>) target_semaphore(%run_scoped3A : memref<!tpu.dma_semaphore, #tpu.memory_space<semaphore_mem>>)
        tpu.wait_dma2 semaphore(%run_scoped3A : memref<!tpu.dma_semaphore, #tpu.memory_space<semaphore_mem>>) src(%arg3 : memref<16384xi32, #tpu.memory_space<hbm>>) dst(%arg5 : memref<16384xi32, #tpu.memory_space<vmem_shared>>)
        tpu.yield
      }) : () -> ()
    } else {
    }
    %barrier3A = arith.constant 0 : index
    tpu.barrier barrier_id(%barrier3A)
    "tpu.region"() ({
      %run_scoped3A = tpu.sem_alloc : memref<!tpu.dma_semaphore, #tpu.memory_space<semaphore_mem>>
      tpu.enqueue_dma source(%arg5 : memref<16384xi32, #tpu.memory_space<vmem_shared>>) target(%arg6 : memref<16384xi32, #tpu.memory_space<vmem>>) target_semaphore(%run_scoped3A : memref<!tpu.dma_semaphore, #tpu.memory_space<semaphore_mem>>)
      tpu.wait_dma2 semaphore(%run_scoped3A : memref<!tpu.dma_semaphore, #tpu.memory_space<semaphore_mem>>) src(%arg5 : memref<16384xi32, #tpu.memory_space<vmem_shared>>) dst(%arg6 : memref<16384xi32, #tpu.memory_space<vmem>>)
      tpu.yield
    }) : () -> ()
    %dma_wait3A = arith.constant 0 : i32
    %dma_wait3A_41 = tpu.memref_slice %arg2[%select_n3A, %select_n3A_32, %dma_wait3A] : memref<52x8x100000xf32, #tpu.memory_space<hbm>> -> memref<1x1x100000xf32, #tpu.memory_space<hbm>>
    %dma_wait3A_42 = tpu.memref_squeeze %dma_wait3A_41 : memref<1x1x100000xf32, #tpu.memory_space<hbm>> -> memref<100000xf32, #tpu.memory_space<hbm>>
    %dma_wait3A_43 = arith.constant 0 : i32
    %dma_wait3A_44 = tpu.memref_slice %arg2[%select_n3A, %select_n3A_32, %dma_wait3A_43] : memref<52x8x100000xf32, #tpu.memory_space<hbm>> -> memref<1x1x100000xf32, #tpu.memory_space<hbm>>
    %dma_wait3A_45 = tpu.memref_squeeze %dma_wait3A_44 : memref<1x1x100000xf32, #tpu.memory_space<hbm>> -> memref<100000xf32, #tpu.memory_space<hbm>>
    tpu.wait_dma2 semaphore(%arg10 : memref<!tpu.dma_semaphore, #tpu.memory_space<semaphore_mem>>) src(%dma_wait3A_45 : memref<100000xf32, #tpu.memory_space<hbm>>) dst(%arg7 : memref<100000xf32, #tpu.memory_space<vmem>>)
    %scan3A = arith.constant 0 : i32
    %scan3A_46 = arith.constant 0 : i32
    %scan3A_47 = arith.constant 13 : i32
    %scan3A_48 = arith.addi %scan3A_46, %scan3A_47 : i32
    %scan3A_49 = arith.constant 1 : i32
    %scan3A_50 = scf.for %scan3A_52 = %scan3A_46 to %scan3A_48 step %scan3A_49 iter_args(%scan3A_53 = %scan3A) -> (i32)  : i32 {
      %mul3A_54 = arith.constant 13 : i32
      %mul3A_55 = arith.muli %add3A, %mul3A_54 : i32
      %add3A_56 = arith.addi %mul3A_55, %scan3A_52 : i32
      %jit3A_57 = arith.constant 8 : i32
      %div3A_58 = arith.divsi %add3A_56, %jit3A_57 : i32
      %sign3A_59 = arith.constant 0 : i32
      %sign3A_60 = arith.cmpi sgt, %add3A_56, %sign3A_59 : i32
      %sign3A_61 = arith.extui %sign3A_60 : i1 to i32
      %sign3A_62 = arith.constant 0 : i32
      %sign3A_63 = arith.cmpi slt, %add3A_56, %sign3A_62 : i32
      %sign3A_64 = arith.extui %sign3A_63 : i1 to i32
      %sign3A_65 = arith.subi %sign3A_61, %sign3A_64 : i32
      %sign3A_66 = arith.constant 0 : i32
      %sign3A_67 = arith.cmpi sgt, %jit3A_57, %sign3A_66 : i32
      %sign3A_68 = arith.extui %sign3A_67 : i1 to i32
      %sign3A_69 = arith.constant 0 : i32
      %sign3A_70 = arith.cmpi slt, %jit3A_57, %sign3A_69 : i32
      %sign3A_71 = arith.extui %sign3A_70 : i1 to i32
      %sign3A_72 = arith.subi %sign3A_68, %sign3A_71 : i32
      %ne3A_73 = arith.cmpi ne, %sign3A_65, %sign3A_72 : i32
      %rem3A_74 = arith.remsi %add3A_56, %jit3A_57 : i32
      %ne3A_75 = arith.constant 0 : i32
      %ne3A_76 = arith.cmpi ne, %rem3A_74, %ne3A_75 : i32
      %and3A_77 = arith.andi %ne3A_73, %ne3A_76 : i1
      %sub3A_78 = arith.constant 1 : i32
      %sub3A_79 = arith.subi %div3A_58, %sub3A_78 : i32
      %select_n3A_80 = arith.select %and3A_77, %sub3A_79, %div3A_58 : i32
      %jit3A_81 = arith.constant 8 : i32
      %eq3A_82 = arith.constant 0 : i32
      %eq3A_83 = arith.cmpi eq, %jit3A_81, %eq3A_82 : i32
      %jit3A_84 = arith.constant 1 : i32
      %select_n3A_85 = arith.select %eq3A_83, %jit3A_84, %jit3A_81 : i32
      %rem3A_86 = arith.remsi %add3A_56, %select_n3A_85 : i32
      %ne3A_87 = arith.constant 0 : i32
      %ne3A_88 = arith.cmpi ne, %rem3A_86, %ne3A_87 : i32
      %lt3A_89 = arith.constant 0 : i32
      %lt3A_90 = arith.cmpi slt, %rem3A_86, %lt3A_89 : i32
      %lt3A_91 = arith.constant 0 : i32
      %lt3A_92 = arith.cmpi slt, %select_n3A_85, %lt3A_91 : i32
      %ne3A_93 = arith.xori %lt3A_90, %lt3A_92 : i1
      %and3A_94 = arith.andi %ne3A_93, %ne3A_88 : i1
      %add3A_95 = arith.addi %rem3A_86, %select_n3A_85 : i32
      %select_n3A_96 = arith.select %and3A_94, %add3A_95, %rem3A_86 : i32
      %gt3A = arith.constant 0 : i32
      %gt3A_97 = arith.cmpi sgt, %scan3A_52, %gt3A : i32
      %convert_element_type3A_98 = arith.extui %gt3A_97 : i1 to i32
      %cond3A_99 = arith.constant 0 : i32
      %cond3A_100 = arith.cmpi ne, %convert_element_type3A_98, %cond3A_99 : i32
      scf.if %cond3A_100 {
        "tpu.region"() ({
          %run_scoped3A = tpu.sem_alloc : memref<!tpu.dma_semaphore, #tpu.memory_space<semaphore_mem>>
          %dma_start3A_161 = arith.constant 0 : i32
          %dma_start3A_162 = tpu.memref_slice %arg2[%select_n3A_80, %select_n3A_96, %dma_start3A_161] : memref<52x8x100000xf32, #tpu.memory_space<hbm>> -> memref<1x1x100000xf32, #tpu.memory_space<hbm>>
          %dma_start3A_163 = tpu.memref_squeeze %dma_start3A_162 : memref<1x1x100000xf32, #tpu.memory_space<hbm>> -> memref<100000xf32, #tpu.memory_space<hbm>>
          %dma_start3A_164 = arith.constant 0 : i32
          %dma_start3A_165 = tpu.memref_slice %arg2[%select_n3A_80, %select_n3A_96, %dma_start3A_164] : memref<52x8x100000xf32, #tpu.memory_space<hbm>> -> memref<1x1x100000xf32, #tpu.memory_space<hbm>>
          %dma_start3A_166 = tpu.memref_squeeze %dma_start3A_165 : memref<1x1x100000xf32, #tpu.memory_space<hbm>> -> memref<100000xf32, #tpu.memory_space<hbm>>
          tpu.enqueue_dma source(%dma_start3A_166 : memref<100000xf32, #tpu.memory_space<hbm>>) target(%arg7 : memref<100000xf32, #tpu.memory_space<vmem>>) target_semaphore(%run_scoped3A : memref<!tpu.dma_semaphore, #tpu.memory_space<semaphore_mem>>)
          %dma_wait3A_167 = arith.constant 0 : i32
          %dma_wait3A_168 = tpu.memref_slice %arg2[%select_n3A_80, %select_n3A_96, %dma_wait3A_167] : memref<52x8x100000xf32, #tpu.memory_space<hbm>> -> memref<1x1x100000xf32, #tpu.memory_space<hbm>>
          %dma_wait3A_169 = tpu.memref_squeeze %dma_wait3A_168 : memref<1x1x100000xf32, #tpu.memory_space<hbm>> -> memref<100000xf32, #tpu.memory_space<hbm>>
          %dma_wait3A_170 = arith.constant 0 : i32
          %dma_wait3A_171 = tpu.memref_slice %arg2[%select_n3A_80, %select_n3A_96, %dma_wait3A_170] : memref<52x8x100000xf32, #tpu.memory_space<hbm>> -> memref<1x1x100000xf32, #tpu.memory_space<hbm>>
          %dma_wait3A_172 = tpu.memref_squeeze %dma_wait3A_171 : memref<1x1x100000xf32, #tpu.memory_space<hbm>> -> memref<100000xf32, #tpu.memory_space<hbm>>
          tpu.wait_dma2 semaphore(%run_scoped3A : memref<!tpu.dma_semaphore, #tpu.memory_space<semaphore_mem>>) src(%dma_wait3A_172 : memref<100000xf32, #tpu.memory_space<hbm>>) dst(%arg7 : memref<100000xf32, #tpu.memory_space<vmem>>)
          tpu.yield
        }) : () -> ()
      } else {
      }
      %parallel_loop3A = arith.constant 0 : i32
      %parallel_loop3A_101 = arith.constant 4096 : i32
      %parallel_loop3A_102 = arith.constant 16 : i32
      scf.for %parallel_loop3A_161 = %parallel_loop3A to %parallel_loop3A_101 step %parallel_loop3A_102  : i32 {
        %parallel_loop3A_162 = arith.constant 0 : i32
        %parallel_loop3A_163 = arith.addi %parallel_loop3A_162, %parallel_loop3A_161 : i32
        %parallel_loop3A_164 = arith.index_cast %parallel_loop3A_163 : i32 to index
        %parallel_loop3A_165 = tpu.vector_load %arg6[%parallel_loop3A_164] {strides = array<i32>} : memref<16384xi32, #tpu.memory_space<vmem>>, vector<16xi32>,
        %parallel_loop3A_166 = tpu.vector_load_idx %arg7[%parallel_loop3A_165] : memref<100000xf32, #tpu.memory_space<vmem>>[vector<16xi32>], vector<16xf32>,
        %parallel_loop3A_167 = arith.index_cast %parallel_loop3A_161 : i32 to index
        %parallel_loop3A_168 = tpu.vector_load %arg8[%parallel_loop3A_167] {strides = array<i32>} : memref<4096xf32, #tpu.memory_space<vmem>>, vector<16xf32>,
        tpu.vector_store %arg8[%parallel_loop3A_167], %parallel_loop3A_166 {strides = array<i32>} : memref<4096xf32, #tpu.memory_space<vmem>>, vector<16xf32>,
      } {sc.loop_unroll_factor = 16 : i64, sc.parallel_access}
      %dma_start3A_103 = arith.constant 0 : i32
      %dma_start3A_104 = tpu.memref_slice %arg4[%select_n3A_80, %select_n3A_96, %dma_start3A_103] : memref<52x8x16384xf32, #tpu.memory_space<hbm>> -> memref<1x1x4096xf32, #tpu.memory_space<hbm>>
      %dma_start3A_105 = tpu.memref_squeeze %dma_start3A_104 : memref<1x1x4096xf32, #tpu.memory_space<hbm>> -> memref<4096xf32, #tpu.memory_space<hbm>>
      %dma_start3A_106 = arith.constant 0 : i32
      %dma_start3A_107 = tpu.memref_slice %arg4[%select_n3A_80, %select_n3A_96, %dma_start3A_106] : memref<52x8x16384xf32, #tpu.memory_space<hbm>> -> memref<1x1x4096xf32, #tpu.memory_space<hbm>>
      %dma_start3A_108 = tpu.memref_squeeze %dma_start3A_107 : memref<1x1x4096xf32, #tpu.memory_space<hbm>> -> memref<4096xf32, #tpu.memory_space<hbm>>
      tpu.enqueue_dma source(%arg8 : memref<4096xf32, #tpu.memory_space<vmem>>) target(%dma_start3A_108 : memref<4096xf32, #tpu.memory_space<hbm>>) target_semaphore(%arg11 : memref<!tpu.dma_semaphore, #tpu.memory_space<semaphore_mem>>)
      %parallel_loop3A_109 = arith.constant 0 : i32
      %parallel_loop3A_110 = arith.constant 4096 : i32
      %parallel_loop3A_111 = arith.constant 16 : i32
      scf.for %parallel_loop3A_161 = %parallel_loop3A_109 to %parallel_loop3A_110 step %parallel_loop3A_111  : i32 {
        %parallel_loop3A_162 = arith.constant 4096 : i32
        %parallel_loop3A_163 = arith.addi %parallel_loop3A_162, %parallel_loop3A_161 : i32
        %parallel_loop3A_164 = arith.index_cast %parallel_loop3A_163 : i32 to index
        %parallel_loop3A_165 = tpu.vector_load %arg6[%parallel_loop3A_164] {strides = array<i32>} : memref<16384xi32, #tpu.memory_space<vmem>>, vector<16xi32>,
        %parallel_loop3A_166 = tpu.vector_load_idx %arg7[%parallel_loop3A_165] : memref<100000xf32, #tpu.memory_space<vmem>>[vector<16xi32>], vector<16xf32>,
        %parallel_loop3A_167 = arith.index_cast %parallel_loop3A_161 : i32 to index
        %parallel_loop3A_168 = tpu.vector_load %arg9[%parallel_loop3A_167] {strides = array<i32>} : memref<4096xf32, #tpu.memory_space<vmem>>, vector<16xf32>,
        tpu.vector_store %arg9[%parallel_loop3A_167], %parallel_loop3A_166 {strides = array<i32>} : memref<4096xf32, #tpu.memory_space<vmem>>, vector<16xf32>,
      } {sc.loop_unroll_factor = 16 : i64, sc.parallel_access}
      %dma_start3A_112 = arith.constant 4096 : i32
      %dma_start3A_113 = tpu.memref_slice %arg4[%select_n3A_80, %select_n3A_96, %dma_start3A_112] : memref<52x8x16384xf32, #tpu.memory_space<hbm>> -> memref<1x1x4096xf32, #tpu.memory_space<hbm>>
      %dma_start3A_114 = tpu.memref_squeeze %dma_start3A_113 : memref<1x1x4096xf32, #tpu.memory_space<hbm>> -> memref<4096xf32, #tpu.memory_space<hbm>>
      %dma_start3A_115 = arith.constant 4096 : i32
      %dma_start3A_116 = tpu.memref_slice %arg4[%select_n3A_80, %select_n3A_96, %dma_start3A_115] : memref<52x8x16384xf32, #tpu.memory_space<hbm>> -> memref<1x1x4096xf32, #tpu.memory_space<hbm>>
      %dma_start3A_117 = tpu.memref_squeeze %dma_start3A_116 : memref<1x1x4096xf32, #tpu.memory_space<hbm>> -> memref<4096xf32, #tpu.memory_space<hbm>>
      tpu.enqueue_dma source(%arg9 : memref<4096xf32, #tpu.memory_space<vmem>>) target(%dma_start3A_117 : memref<4096xf32, #tpu.memory_space<hbm>>) target_semaphore(%arg12 : memref<!tpu.dma_semaphore, #tpu.memory_space<semaphore_mem>>)
      %dma_wait3A_118 = arith.constant 0 : i32
      %dma_wait3A_119 = tpu.memref_slice %arg4[%select_n3A_80, %select_n3A_96, %dma_wait3A_118] : memref<52x8x16384xf32, #tpu.memory_space<hbm>> -> memref<1x1x4096xf32, #tpu.memory_space<hbm>>
      %dma_wait3A_120 = tpu.memref_squeeze %dma_wait3A_119 : memref<1x1x4096xf32, #tpu.memory_space<hbm>> -> memref<4096xf32, #tpu.memory_space<hbm>>
      %dma_wait3A_121 = arith.constant 0 : i32
      %dma_wait3A_122 = tpu.memref_slice %arg4[%select_n3A_80, %select_n3A_96, %dma_wait3A_121] : memref<52x8x16384xf32, #tpu.memory_space<hbm>> -> memref<1x1x4096xf32, #tpu.memory_space<hbm>>
      %dma_wait3A_123 = tpu.memref_squeeze %dma_wait3A_122 : memref<1x1x4096xf32, #tpu.memory_space<hbm>> -> memref<4096xf32, #tpu.memory_space<hbm>>
      tpu.wait_dma2 semaphore(%arg11 : memref<!tpu.dma_semaphore, #tpu.memory_space<semaphore_mem>>) src(%arg8 : memref<4096xf32, #tpu.memory_space<vmem>>) dst(%dma_wait3A_123 : memref<4096xf32, #tpu.memory_space<hbm>>)
      %parallel_loop3A_124 = arith.constant 0 : i32
      %parallel_loop3A_125 = arith.constant 4096 : i32
      %parallel_loop3A_126 = arith.constant 16 : i32
      scf.for %parallel_loop3A_161 = %parallel_loop3A_124 to %parallel_loop3A_125 step %parallel_loop3A_126  : i32 {
        %parallel_loop3A_162 = arith.constant 8192 : i32
        %parallel_loop3A_163 = arith.addi %parallel_loop3A_162, %parallel_loop3A_161 : i32
        %parallel_loop3A_164 = arith.index_cast %parallel_loop3A_163 : i32 to index
        %parallel_loop3A_165 = tpu.vector_load %arg6[%parallel_loop3A_164] {strides = array<i32>} : memref<16384xi32, #tpu.memory_space<vmem>>, vector<16xi32>,
        %parallel_loop3A_166 = tpu.vector_load_idx %arg7[%parallel_loop3A_165] : memref<100000xf32, #tpu.memory_space<vmem>>[vector<16xi32>], vector<16xf32>,
        %parallel_loop3A_167 = arith.index_cast %parallel_loop3A_161 : i32 to index
        %parallel_loop3A_168 = tpu.vector_load %arg8[%parallel_loop3A_167] {strides = array<i32>} : memref<4096xf32, #tpu.memory_space<vmem>>, vector<16xf32>,
        tpu.vector_store %arg8[%parallel_loop3A_167], %parallel_loop3A_166 {strides = array<i32>} : memref<4096xf32, #tpu.memory_space<vmem>>, vector<16xf32>,
      } {sc.loop_unroll_factor = 16 : i64, sc.parallel_access}
      %dma_start3A_127 = arith.constant 8192 : i32
      %dma_start3A_128 = tpu.memref_slice %arg4[%select_n3A_80, %select_n3A_96, %dma_start3A_127] : memref<52x8x16384xf32, #tpu.memory_space<hbm>> -> memref<1x1x4096xf32, #tpu.memory_space<hbm>>
      %dma_start3A_129 = tpu.memref_squeeze %dma_start3A_128 : memref<1x1x4096xf32, #tpu.memory_space<hbm>> -> memref<4096xf32, #tpu.memory_space<hbm>>
      %dma_start3A_130 = arith.constant 8192 : i32
      %dma_start3A_131 = tpu.memref_slice %arg4[%select_n3A_80, %select_n3A_96, %dma_start3A_130] : memref<52x8x16384xf32, #tpu.memory_space<hbm>> -> memref<1x1x4096xf32, #tpu.memory_space<hbm>>
      %dma_start3A_132 = tpu.memref_squeeze %dma_start3A_131 : memref<1x1x4096xf32, #tpu.memory_space<hbm>> -> memref<4096xf32, #tpu.memory_space<hbm>>
      tpu.enqueue_dma source(%arg8 : memref<4096xf32, #tpu.memory_space<vmem>>) target(%dma_start3A_132 : memref<4096xf32, #tpu.memory_space<hbm>>) target_semaphore(%arg11 : memref<!tpu.dma_semaphore, #tpu.memory_space<semaphore_mem>>)
      %dma_wait3A_133 = arith.constant 4096 : i32
      %dma_wait3A_134 = tpu.memref_slice %arg4[%select_n3A_80, %select_n3A_96, %dma_wait3A_133] : memref<52x8x16384xf32, #tpu.memory_space<hbm>> -> memref<1x1x4096xf32, #tpu.memory_space<hbm>>
      %dma_wait3A_135 = tpu.memref_squeeze %dma_wait3A_134 : memref<1x1x4096xf32, #tpu.memory_space<hbm>> -> memref<4096xf32, #tpu.memory_space<hbm>>
      %dma_wait3A_136 = arith.constant 4096 : i32
      %dma_wait3A_137 = tpu.memref_slice %arg4[%select_n3A_80, %select_n3A_96, %dma_wait3A_136] : memref<52x8x16384xf32, #tpu.memory_space<hbm>> -> memref<1x1x4096xf32, #tpu.memory_space<hbm>>
      %dma_wait3A_138 = tpu.memref_squeeze %dma_wait3A_137 : memref<1x1x4096xf32, #tpu.memory_space<hbm>> -> memref<4096xf32, #tpu.memory_space<hbm>>
      tpu.wait_dma2 semaphore(%arg12 : memref<!tpu.dma_semaphore, #tpu.memory_space<semaphore_mem>>) src(%arg9 : memref<4096xf32, #tpu.memory_space<vmem>>) dst(%dma_wait3A_138 : memref<4096xf32, #tpu.memory_space<hbm>>)
      %parallel_loop3A_139 = arith.constant 0 : i32
      %parallel_loop3A_140 = arith.constant 4096 : i32
      %parallel_loop3A_141 = arith.constant 16 : i32
      scf.for %parallel_loop3A_161 = %parallel_loop3A_139 to %parallel_loop3A_140 step %parallel_loop3A_141  : i32 {
        %parallel_loop3A_162 = arith.constant 12288 : i32
        %parallel_loop3A_163 = arith.addi %parallel_loop3A_162, %parallel_loop3A_161 : i32
        %parallel_loop3A_164 = arith.index_cast %parallel_loop3A_163 : i32 to index
        %parallel_loop3A_165 = tpu.vector_load %arg6[%parallel_loop3A_164] {strides = array<i32>} : memref<16384xi32, #tpu.memory_space<vmem>>, vector<16xi32>,
        %parallel_loop3A_166 = tpu.vector_load_idx %arg7[%parallel_loop3A_165] : memref<100000xf32, #tpu.memory_space<vmem>>[vector<16xi32>], vector<16xf32>,
        %parallel_loop3A_167 = arith.index_cast %parallel_loop3A_161 : i32 to index
        %parallel_loop3A_168 = tpu.vector_load %arg9[%parallel_loop3A_167] {strides = array<i32>} : memref<4096xf32, #tpu.memory_space<vmem>>, vector<16xf32>,
        tpu.vector_store %arg9[%parallel_loop3A_167], %parallel_loop3A_166 {strides = array<i32>} : memref<4096xf32, #tpu.memory_space<vmem>>, vector<16xf32>,
      } {sc.loop_unroll_factor = 16 : i64, sc.parallel_access}
      %dma_start3A_142 = arith.constant 12288 : i32
      %dma_start3A_143 = tpu.memref_slice %arg4[%select_n3A_80, %select_n3A_96, %dma_start3A_142] : memref<52x8x16384xf32, #tpu.memory_space<hbm>> -> memref<1x1x4096xf32, #tpu.memory_space<hbm>>
      %dma_start3A_144 = tpu.memref_squeeze %dma_start3A_143 : memref<1x1x4096xf32, #tpu.memory_space<hbm>> -> memref<4096xf32, #tpu.memory_space<hbm>>
      %dma_start3A_145 = arith.constant 12288 : i32
      %dma_start3A_146 = tpu.memref_slice %arg4[%select_n3A_80, %select_n3A_96, %dma_start3A_145] : memref<52x8x16384xf32, #tpu.memory_space<hbm>> -> memref<1x1x4096xf32, #tpu.memory_space<hbm>>
      %dma_start3A_147 = tpu.memref_squeeze %dma_start3A_146 : memref<1x1x4096xf32, #tpu.memory_space<hbm>> -> memref<4096xf32, #tpu.memory_space<hbm>>
      tpu.enqueue_dma source(%arg9 : memref<4096xf32, #tpu.memory_space<vmem>>) target(%dma_start3A_147 : memref<4096xf32, #tpu.memory_space<hbm>>) target_semaphore(%arg12 : memref<!tpu.dma_semaphore, #tpu.memory_space<semaphore_mem>>)
      %dma_wait3A_148 = arith.constant 8192 : i32
      %dma_wait3A_149 = tpu.memref_slice %arg4[%select_n3A_80, %select_n3A_96, %dma_wait3A_148] : memref<52x8x16384xf32, #tpu.memory_space<hbm>> -> memref<1x1x4096xf32, #tpu.memory_space<hbm>>
      %dma_wait3A_150 = tpu.memref_squeeze %dma_wait3A_149 : memref<1x1x4096xf32, #tpu.memory_space<hbm>> -> memref<4096xf32, #tpu.memory_space<hbm>>
      %dma_wait3A_151 = arith.constant 8192 : i32
      %dma_wait3A_152 = tpu.memref_slice %arg4[%select_n3A_80, %select_n3A_96, %dma_wait3A_151] : memref<52x8x16384xf32, #tpu.memory_space<hbm>> -> memref<1x1x4096xf32, #tpu.memory_space<hbm>>
      %dma_wait3A_153 = tpu.memref_squeeze %dma_wait3A_152 : memref<1x1x4096xf32, #tpu.memory_space<hbm>> -> memref<4096xf32, #tpu.memory_space<hbm>>
      tpu.wait_dma2 semaphore(%arg11 : memref<!tpu.dma_semaphore, #tpu.memory_space<semaphore_mem>>) src(%arg8 : memref<4096xf32, #tpu.memory_space<vmem>>) dst(%dma_wait3A_153 : memref<4096xf32, #tpu.memory_space<hbm>>)
      %dma_wait3A_154 = arith.constant 12288 : i32
      %dma_wait3A_155 = tpu.memref_slice %arg4[%select_n3A_80, %select_n3A_96, %dma_wait3A_154] : memref<52x8x16384xf32, #tpu.memory_space<hbm>> -> memref<1x1x4096xf32, #tpu.memory_space<hbm>>
      %dma_wait3A_156 = tpu.memref_squeeze %dma_wait3A_155 : memref<1x1x4096xf32, #tpu.memory_space<hbm>> -> memref<4096xf32, #tpu.memory_space<hbm>>
      %dma_wait3A_157 = arith.constant 12288 : i32
      %dma_wait3A_158 = tpu.memref_slice %arg4[%select_n3A_80, %select_n3A_96, %dma_wait3A_157] : memref<52x8x16384xf32, #tpu.memory_space<hbm>> -> memref<1x1x4096xf32, #tpu.memory_space<hbm>>
      %dma_wait3A_159 = tpu.memref_squeeze %dma_wait3A_158 : memref<1x1x4096xf32, #tpu.memory_space<hbm>> -> memref<4096xf32, #tpu.memory_space<hbm>>
      tpu.wait_dma2 semaphore(%arg12 : memref<!tpu.dma_semaphore, #tpu.memory_space<semaphore_mem>>) src(%arg9 : memref<4096xf32, #tpu.memory_space<vmem>>) dst(%dma_wait3A_159 : memref<4096xf32, #tpu.memory_space<hbm>>)
      %scan3A_160 = arith.constant 0 : i32
      scf.yield %scan3A_160 : i32
    }
    %scan3A_51 = arith.constant 13 : i32
    return
  }
}

</mosaic_0001>

<sc_bundles>
// kernel: kernel.3.cloned.1.call-start
scs
__scs_entry_jumppad:
0x0: {  	(pc) =	sbr.rel $0x88, $3  }
0x1: {  	(tag) =	ssettag $0x0;
	lr =	simm.s32 $0x1  }
0x2: {  	[smem:$0x3F9E] =	sst lr;
	_ =	strace $0xD0000000  }
0x3: {  	_ = 	snop  }
0x4: {  	_ = 	snop  }
0x5: {  	_ = 	snop  }
0x6: {  	_ = 	snop  }
0x7: {  	_ = 	snop  }
__scs_overlays_trampoline_lowered:
0x8: {  	[smem:$0x3FAD] =	sst s0  }
0x9: {  	[smem:$0x3FAE] =	sst s1  }
0xa: {  	[smem:$0x3FAF] =	sst s2  }
0xb: {  	[smem:$0x3FB0] =	sst s3  }
0xc: {  	[smem:$0x3FB1] =	sst s4  }
0xd: {  	[smem:$0x3FB2] =	sst s5  }
0xe: {  	[smem:$0x3FB3] =	sst s6  }
0xf: {  	[smem:$0x3FB4] =	sst s7  }
0x10: {  	[smem:$0x3FB5] =	sst s8  }
0x11: {  	[smem:$0x3FB6] =	sst s9;
	s0 =	simm.s32 @!p0 $0x0  }
0x12: {  	s1 =	sld [smem:$0x3F9C];
	s0 =	simm.s32 @p0 $0x1  }
0x13: {  	[smem:$0x3FB7] =	sst s0;
	s0 =	simm.s32 @!p1 $0x0  }
0x14: {  	s2 =	sld [smem:$0x3F9B];
	s0 =	simm.s32 @p1 $0x1  }
0x15: {  	[smem:$0x3FB8] =	sst s0;
	s0 =	simm.s32 @!p2 $0x0  }
0x16: {  	s3 =	sld [smem:$0x3FDB];
	s0 =	simm.s32 @p2 $0x1  }
0x17: {  	s4 =	simm.s32 $0x1BF5;
	[smem:$0x3FBA] =	sst s0  }
0x18: {  	s0 =	sld [smem:$0x3F9D];
	_ =	swait.ge [sflag:s4], $0x0  }
0x19: {  	s7 =	sld [smem:$0x3F9E]  }
0x1a: {  	s8 =	sadd.s32 $0xFFFFE003, lr  }
0x1b: {  	s9 =	sadd.s32 $0xFFFFFEF7, lr;
	s5 =	simm.s32 $0xFFFFFFFF;
	p2 =	slt.u32 s8, $0xFFFFF086  }
0x1c: {  	p1 =	slt.u32 s9, $0xF7A;
	s5 =	simm.s32 @!p2 $0x0  }
0x1d: {  	s5 =	simm.s32 @p1 $0x1;
	p0 =	seq.s32 s7, s2  }
0x1e: {  	s7 =	smul.u32 @!p0 $0xF7A, s2;
	p2 =	seq.s32 @!p0 s5, $0x0  }
0x1f: {  	s9 =	smul.u32 $0xF7A, s1;
	s8 =	simm.s32 @!p0 $0x1BF5;
	p2 =	por !p2, p0  }
0x20: {  	[sflag:s8] =	ssyncset.s32 @!p0 $0xFFFFF086;
	s6 =	sadd.s32 @!p0 s3, s7;
	s7 =	simm.s32 @!p0 $0x108  }
0x21: {  	s3 =	sadd.s32 s3, s9;
	s6 =	sadd.s32 @!p0 $0x88, s6;
	s7 =	simm.s32 @p2 $0x1082  }
0x22: {  	[simem:s7], [sflag:s8] =	dma.local @!p0 [hbm:s6], $0xF7A  }
0x23: {  	s9 =	sor.u32 $0xD0000000, s2;
	s6 =	simm.s32 $0x108;
	_ =	swait.ge @!p0 [sflag:s8], $0x0  }
0x24: {  	s3 =	sadd.s32 $0x88, s3;
	s6 =	simm.s32 @!p1 $0x1082;
	[sflag:s4] =	ssyncset.s32 $0xFFFFF086  }
0x25: {  	[simem:s6], [sflag:s4] =	dma.local [hbm:s3], $0xF7A  }
0x26: {  	[smem:$0x3F9E] =	sst s1;
	(tag) =	ssettag s2;
	_ =	strace s9  }
0x27: {  	s1 =	sld [smem:$0x3FAE]  }
0x28: {  	s2 =	sld [smem:$0x3FAF]  }
0x29: {  	s4 =	sld [smem:$0x3FB1]  }
0x2a: {  	p0 =	seq.s32 s5, $0x0;
	s5 =	sld [smem:$0x3FB2]  }
0x2b: {  	s6 =	sld [smem:$0x3FB3]  }
0x2c: {  	s7 =	sld [smem:$0x3FB4]  }
0x2d: {  	s3 =	simm.s32 $0x108;
	s8 =	sld [smem:$0x3FB5]  }
0x2e: {  	s3 =	simm.s32 @!p0 $0x1082;
	s9 =	sld [smem:$0x3FB6]  }
0x2f: {  	lr =	sadd.s32 s0, s3;
	s0 =	sld [smem:$0x3FAD]  }
0x30: {  	s3 =	sld [smem:$0x3FB0]  }
0x31: {  	[smem:$0x3FB9] =	sst s10  }
0x32: {  	s10 =	sld [smem:$0x3FB7];
	_ =	sdelay $0x3  }
0x33: {  	p0 =	seq.s32 s10, $0x1;
	s10 =	sld [smem:$0x3FB9];
	_ =	sdelay $0x3  }
0x34: {  	[smem:$0x3FB9] =	sst s10  }
0x35: {  	s10 =	sld [smem:$0x3FB8];
	_ =	sdelay $0x3  }
0x36: {  	p1 =	seq.s32 s10, $0x1;
	s10 =	sld [smem:$0x3FB9];
	_ =	sdelay $0x3  }
0x37: {  	[smem:$0x3FB9] =	sst s10  }
0x38: {  	s10 =	sld [smem:$0x3FBA]  }
0x39: {  	_ = 	snop;
	(pc) =	sbr.ind lr, $3  }
0x3a: {  	_ = 	snop  }
0x3b: {  	_ = 	snop  }
0x3c: {  	p2 =	seq.s32 s10, $0x1;
	s10 =	sld [smem:$0x3FB9]  }
0x3d: {  	_ =	shalt  }
0x3e: {  	_ =	shalt  }
0x3f: {  	_ =	shalt  }
0x40: {  	_ =	shalt  }
0x41: {  	_ =	shalt  }
0x42: {  	_ =	shalt  }
0x43: {  	_ =	shalt  }
0x44: {  	_ =	shalt  }
0x45: {  	_ =	shalt  }
0x46: {  	_ =	shalt  }
0x47: {  	_ =	shalt  }
0x48: {  	_ =	shalt  }
0x49: {  	_ =	shalt  }
0x4a: {  	_ =	shalt  }
0x4b: {  	_ =	shalt  }
0x4c: {  	_ =	shalt  }
0x4d: {  	_ =	shalt  }
0x4e: {  	_ =	shalt  }
0x4f: {  	_ =	shalt  }
0x50: {  	_ =	shalt  }
0x51: {  	_ =	shalt  }
0x52: {  	_ =	shalt  }
0x53: {  	_ =	shalt  }
0x54: {  	_ =	shalt  }
0x55: {  	_ =	shalt  }
0x56: {  	_ =	shalt  }
0x57: {  	_ =	shalt  }
0x58: {  	_ =	shalt  }
0x59: {  	_ =	shalt  }
0x5a: {  	_ =	shalt  }
0x5b: {  	_ =	shalt  }
0x5c: {  	_ =	shalt  }
0x5d: {  	_ =	shalt  }
0x5e: {  	_ =	shalt  }
0x5f: {  	_ =	shalt  }
0x60: {  	_ =	shalt  }
0x61: {  	_ =	shalt  }
0x62: {  	_ =	shalt  }
0x63: {  	_ =	shalt  }
0x64: {  	_ =	shalt  }
0x65: {  	_ =	shalt  }
0x66: {  	_ =	shalt  }
0x67: {  	_ =	shalt  }
0x68: {  	_ =	shalt  }
0x69: {  	_ =	shalt  }
0x6a: {  	_ =	shalt  }
0x6b: {  	_ =	shalt  }
0x6c: {  	_ =	shalt  }
0x6d: {  	_ =	shalt  }
0x6e: {  	_ =	shalt  }
0x6f: {  	_ =	shalt  }
0x70: {  	_ =	shalt  }
0x71: {  	_ =	shalt  }
0x72: {  	_ =	shalt  }
0x73: {  	_ =	shalt  }
0x74: {  	_ =	shalt  }
0x75: {  	_ =	shalt  }
0x76: {  	_ =	shalt  }
0x77: {  	_ =	shalt  }
0x78: {  	_ =	shalt  }
0x79: {  	_ =	shalt  }
0x7a: {  	_ =	shalt  }
0x7b: {  	_ =	shalt  }
0x7c: {  	_ =	shalt  }
0x7d: {  	_ =	shalt  }
0x7e: {  	_ =	shalt  }
0x7f: {  	_ =	shalt  }
0x80: {  	_ =	shalt  }
0x81: {  	_ =	shalt  }
0x82: {  	_ =	shalt  }
0x83: {  	_ =	shalt  }
0x84: {  	_ =	shalt  }
0x85: {  	_ =	shalt  }
0x86: {  	_ =	shalt  }
0x87: {  	_ =	shalt  }
.Lfunc_end0:
.L_simem_size_0:
called_computation_lowered:
.L_overlay_start_0:
0x88: {  	s2 =	sld [smem:$0x3FD9]  }
0x89: {  	s3 =	sld [smem:$0x3FFE];
	_ =	sdelay $0x1  }
0x8a: {  	s1 =	srdreg.scid  }
0x8b: {  	s0 =	sand.u32 $0x1, s1  }
0x8c: {  	s17 =	sshll.u32 s0, $0xA;
	s2 =	sadd.s32 s3, s2  }
0x8d: {  	s2 =	sadd.s32 s2, s17  }
0x8e: {  	[smem:$0x3FC5] =	sst s2  }
0x8f: {  	_ = 	snop  }
0x90: {  	s2 =	sld [smem:$0x3FC9]  }
0x91: {  	s18 =	sld [smem:$0x3FD0];
	(tm) =	ssettm $0x1  }
0x92: {  	s4 =	sld [smem:$0x3FFB];
	_ =	sdelay $0x3  }
0x93: {  	_ =	strace s4  }
0x94: {  	s4 =	sld [smem:$0x3FFC];
	_ =	sdelay $0x3  }
0x95: {  	_ =	strace s4  }
0x96: {  	s4 =	sld [smem:$0x3FFD];
	_ =	sdelay $0x3  }
0x97: {  	_ =	strace s4  }
0x98: {  	_ =	strace $0x8FFFFFFF  }
0x99: {  	s19 =	sld [smem:$0x3FDB];
	_ =	sdelay $0x1  }
0x9a: {  	s5 =	simm.s32 $_scs_section_size  }
0x9b: {  	s6 =	simm.s32 $_size__tile_overlayer_lowered;
	s7 =	simm.s32 $_tile_overlayer_lowered  }
0x9c: {  	s22 =	simm.s32 $0x1BFF;
	s21 =	sshll.u32 s7, $0x1;
	s4 =	sadd.s32 s5, s19  }
0x9d: {  	s8 =	simm.s32 $0x0;
	s20 =	sshll.u32 s6, $0x1;
	s6 =	sadd.s32 s21, s4  }
0x9e: {  	[timem:s8], [sflag:s22] =	dma.local [hbm:s6], s20  }
0x9f: {  	_ =	swait.ge [sflag:s22], s20  }
0xa0: {  	s5 =	ssub.s32 $0x0, s20;
	[sflag:s22] =	ssyncset.done $0x0  }
0xa1: {  	[sflag:s22] =	ssyncadd.s32 s5;
	_ =	sdelay $0x1  }
0xa2: {  	s23 =	simm.s32 $0x1B8B  }
0xa3: {  	_ =	swait.ge [sflag:s23], $0x1  }
0xa4: {  	[sflag:s23] =	ssyncset.done $0x0  }
0xa5: {  	s25 =	simm.s32 $0x1B8E;
	s24 =	sld [smem:$0x3FFE];
	[sflag:s23] =	ssyncadd.s32 $0xFFFFFFFF  }
0xa6: {  	s26 =	simm.s32 $execute0_lowered;
	[smem:$0x3FD2] =	sst s25  }
0xa7: {  	s6 =	sshll.u32 s26, $0x1;
	_ =	strace $0x80000046;
	[dreg:$0x1] =	wrdreg $0xFFFFFFFF  }
0xa8: {  	s28 =	simm.s32 $_size_execute0_lowered;
	s4 =	sadd.s32 s4, s6;
	[dreg:$0x0] =	wrdreg $0x0  }
0xa9: {  	s6 =	sshll.u32 s28, $0x1;
	[dreg:$0x2] =	wrdreg s4  }
0xaa: {  	[dreg:$0x3] =	wrdreg s6  }
0xab: {  	[dreg:$0x4] =	wrdreg $0xC0  }
0xac: {  	_ =	task [dreg:s8], $0x5FFFF  }
0xad: {  	[dreg:$0x1] =	wrdreg $0xFFFFFFFF  }
0xae: {  	[dreg:$0x0] =	wrdreg $0x60  }
0xaf: {  	[dreg:$0x2] =	wrdreg s2  }
0xb0: {  	[dreg:$0x3] =	wrdreg s24  }
0xb1: {  	[dreg:$0x4] =	wrdreg s18  }
0xb2: {  	[dreg:$0x5] =	wrdreg $0x0  }
0xb3: {  	[dreg:$0x6] =	wrdreg $0x9  }
0xb4: {  	_ =	task.clear_ibuf [dreg:s8], $0x7FFFF;
	_ =	strace $0x90000046  }
0xb5: {  	s29 =	simm.s32 $0x9;
	_ =	strace $0x80000048  }
0xb6: {  	_ =	swait.ge [sflag:s29], $0x1  }
0xb7: {  	[sflag:s29] =	ssyncadd.s32 $0xFFFFFFFF  }
0xb8: {  	_ =	strace $0x90000048  }
0xb9: {  	_ =	sfence  }
0xba: {  	s30 =	sld [smem:$0x0];
	_ =	sdelay $0x2  }
0xbb: {  	s31 =	sshll.u32 s1, $0xD;
	s1 =	sshrl.u32 s1, $0x2  }
0xbc: {  	s3 =	sand.u32 $0x4000, s31;
	s1 =	sadd.s32 s1, s30  }
0xbd: {  	s0 =	sor.u32 s3, s0;
	s1 =	sshll.u32 s1, $0x11  }
0xbe: {  	s0 =	sor.u32 s1, s0  }
0xbf: {  	s0 =	sadd.s32 $0x8F2B, s0  }
0xc0: {  	[sflag:s0] =	ssyncadd.remote.s32 $0x1  }
0xc1: {  	_ =	sfence.sel $0xFFFF  }
0xc2: {  	[dreg:$0x0] =	wrdreg $0xFFFFFFFF;
	(pc) =	sbr.abs _section_cstart, $3  }
0xc3: {  	[dreg:$0x1] =	wrdreg $0xFFFFFFFF  }
0xc4: {  	_ =	task.clear_ibuf [dreg:s8], $0x2FFFF;
	_ =	strace $0x9FFFFFFF  }
0xc5: {  	(tm) =	ssettm $0x7FFFFFFF  }
tec
execute0_lowered:
.L_overlay_start_1:
0x0: {  	(tag) =	ssettag $0x1  }
0x1: {  	s0 =	srdreg.scid;
	s7 =	rddreg [dreg:$0x1]  }
0x2: {  	s12 =	stileid.u32;
	s3 =	rddreg [dreg:$0x2]  }
0x3: {  	s4 =	rddreg [dreg:$0x3];
	s13 =	simm.s32 $0x400;
	s14 =	simm.s32 $0x4400  }
0x4: {  	s16 =	simm.s32 $0x4;
	s17 =	simm.s32 $0x1;
	s18 =	simm.s32 $0x1CB00  }
0x5: {  	s19 =	simm.s32 $0x1DB00;
	s6 =	sand.u32 $0x1, s0;
	s29 =	sshll.u32 s12, $0x1  }
0x6: {  	s20 =	simm.s32 $0x2;
	s21 =	simm.s32 $0x3;
	s2 =	sor.u32 s6, s29  }
0x7: {  	s0 =	rddreg [dreg:$0x0];
	p0 =	sne.s32 s12, $0x0;
	s1 =	smul.u32 $0xD, s2  }
0x8: {  	s12 =	simm.s32 $0x80;
	s10 =	ssub.s32 $0x2, s6;
	s6 =	sadd.s32 $0x400, s7  }
0x9: {  	s15 =	sshrl.u32 @!p0 s4, $0x3;
	s8 =	smul.u32 $0x280, s2;
	s5 =	sshrl.u32 s1, $0x3  }
0xa: {  	s2 =	rddreg [dreg:$0x4];
	s31 =	sshrl.u32 s10, $0x1;
	s9 =	smul.u32 $0xC3800, s5  }
0xb: {  	s11 =	ssub.s32 s10, s31;
	s8 =	sand.u32 $0x380, s8;
	s5 =	simm.s32 $0x0  }
0xc: {  	s10 =	sadd.s32 $0x3000, s3;
	[smem:$0x7FF] =	sst s5;
	s30 =	sor.u32 s8, s9  }
0xd: {  	s11 =	smax.u32 s11, $0x1;
	_ =	strace $0x80000047;
	s9 =	sshrl.u32 s30, $0x3  }
0xe: {  	s8 =	sadd.s32 $0x1000, s3;
	s7 =	sadd.s32 s0, s9;
	s9 =	sadd.s32 $0x2000, s3  }
.LBB2_1:
0xf: {  	[tilespmem:s14], [sflag:$0x1] =	stream.strided.gather [hbm4b:s7+s12], $0x18700, s13, s12, $0x38;
	[tilespmem:$0x1EB00] =	vst v63  }
0x10: {  	s22 =	simm.s32 @!p0 $0x1C04  }
0x11: {  	[spmem:s15], [sflag:s22] =	dma.local @!p0 [hbm:s6], $0x800  }
0x12: {  	s22 =	simm.s32 @!p0 $0x4  }
0x13: {  	_ =	swait.ge @!p0 [sflag:s22], $0x800  }
0x14: {  	[sflag:s22] =	ssyncset.done @!p0 $0x0  }
0x15: {  	[sflag:s22] =	ssyncadd.s32 @!p0 $0xFFFFF800  }
0x16: {  	[bflag:$0x0] =	sbarrier.arrive $0xFFFF  }
0x17: {  	[tilespmem:s13], [sflag:$0x4] =	stream.linear.gather [spmem:s4], $0x4000, $0x38;
	[tilespmem:$0x1EB00] =	vst v63  }
0x18: {  	_ =	swait.ge [sflag:s16], $0x4000  }
0x19: {  	[sflag:s16] =	ssyncset.done $0x0  }
0x1a: {  	[sflag:s16] =	ssyncadd.s32 $0xFFFFC000  }
0x1b: {  	_ =	swait.ge [sflag:s17], $0x18700  }
0x1c: {  	[sflag:s17] =	ssyncset.done $0x0  }
0x1d: {  	s22 =	simm.s32 $0x0;
	[sflag:s17] =	ssyncadd.s32 $0xFFFE7900  }
.LBB2_2:
0x1e: {  	s24 =	sadd.s32 s1, s22  }
0x1f: {  	p1 =	seq.s32 s22, $0x0;
	s23 =	sshrl.u32 s24, $0x3  }
0x20: {  	s24 =	sand.u32 $0x7, s24;
	s25 =	smul.u32 @!p1 $0xC3800, s23  }
0x21: {  	s26 =	sshll.u32 @!p1 s24, $0x7  }
0x22: {  	s25 =	sor.u32 @!p1 s26, s25  }
0x23: {  	s28 =	simm.s32 @!p1 $0x400;
	s25 =	sshrl.u32 @!p1 s25, $0x3  }
0x24: {  	s29 =	simm.s32 @!p1 $0x4400;
	s26 =	simm.s32 @!p1 $0x80;
	s25 =	sadd.s32 @!p1 s0, s25  }
0x25: {  	[tilespmem:s29], [sflag:$0x4] =	stream.strided.gather @!p1 [hbm4b:s25+s26], $0x18700, s28, s26, $0x38;
	[tilespmem:$0x1EB00] =	vst v63  }
0x26: {  	s25 =	simm.s32 @!p1 $0x4  }
0x27: {  	_ =	swait.ge @!p1 [sflag:s25], $0x18700  }
0x28: {  	[sflag:s25] =	ssyncset.done @!p1 $0x0  }
0x29: {  	s31 =	simm.s32 $0x480;
	[sflag:s25] =	ssyncadd.s32 @!p1 $0xFFFE7900  }
0x2a: {  	v0 =	vld [tilespmem:s31+$0x70]  }
0x2b: {  	v1 =	vld [tilespmem:s31+$0xFFFFFF90]  }
0x2c: {  	v2 =	vld [tilespmem:s31+$0xFFFFFFA0]  }
0x2d: {  	v3 =	vld [tilespmem:s31+$0xFFFFFFB0]  }
0x2e: {  	v4 =	vld [tilespmem:s31+$0xFFFFFFC0]  }
0x2f: {  	v5 =	vld [tilespmem:s31+$0xFFFFFFD0]  }
0x30: {  	v6 =	vld [tilespmem:s31+$0xFFFFFFE0]  }
0x31: {  	v7 =	vld [tilespmem:s31+$0xFFFFFFF0]  }
0x32: {  	v8 =	vld [tilespmem:s31+$0x0]  }
0x33: {  	v9 =	vld [tilespmem:s31+$0x10]  }
0x34: {  	v10 =	vld [tilespmem:s31+$0x20]  }
0x35: {  	v11 =	vld [tilespmem:s31+$0x30]  }
0x36: {  	v12 =	vld [tilespmem:s31+$0x40]  }
0x37: {  	v13 =	vld [tilespmem:s31+$0x50]  }
0x38: {  	v14 =	vld [tilespmem:s31+$0x60]  }
0x39: {  	v15 =	vld [tilespmem:s31+$0xFFFFFF80]  }
0x3a: {  	v0 =	vld.idx.msk [tilespmem:v0+s14+$0x0], $0xffff  }
0x3b: {  	v1 =	vld.idx.msk [tilespmem:v1+s14+$0x0], $0xffff  }
0x3c: {  	v2 =	vld.idx.msk [tilespmem:v2+s14+$0x0], $0xffff  }
0x3d: {  	v3 =	vld.idx.msk [tilespmem:v3+s14+$0x0], $0xffff  }
0x3e: {  	v4 =	vld.idx.msk [tilespmem:v4+s14+$0x0], $0xffff  }
0x3f: {  	s25 =	simm.s32 $0x1CB80;
	v5 =	vld.idx.msk [tilespmem:v5+s14+$0x0], $0xffff  }
0x40: {  	v6 =	vld.idx.msk [tilespmem:v6+s14+$0x0], $0xffff;
	[tilespmem:s25+$0x70] =	vst v0  }
0x41: {  	v7 =	vld.idx.msk [tilespmem:v7+s14+$0x0], $0xffff;
	[tilespmem:s25+$0xFFFFFF90] =	vst v1  }
0x42: {  	v15 =	vld.idx.msk [tilespmem:v15+s14+$0x0], $0xffff;
	[tilespmem:s25+$0xFFFFFFA0] =	vst v2  }
0x43: {  	v8 =	vld.idx.msk [tilespmem:v8+s14+$0x0], $0xffff;
	[tilespmem:s25+$0xFFFFFFB0] =	vst v3  }
0x44: {  	[tilespmem:s25+$0xFFFFFFC0] =	vst v4;
	v0 =	vld.idx.msk [tilespmem:v9+s14+$0x0], $0xffff  }
0x45: {  	[tilespmem:s25+$0xFFFFFFD0] =	vst v5;
	v1 =	vld.idx.msk [tilespmem:v10+s14+$0x0], $0xffff  }
0x46: {  	[tilespmem:s25+$0xFFFFFFE0] =	vst v6;
	v2 =	vld.idx.msk [tilespmem:v11+s14+$0x0], $0xffff  }
0x47: {  	[tilespmem:s25+$0xFFFFFFF0] =	vst v7;
	v4 =	vld.idx.msk [tilespmem:v12+s14+$0x0], $0xffff  }
0x48: {  	[tilespmem:s25+$0xFFFFFF80] =	vst v15;
	v3 =	vld.idx.msk [tilespmem:v13+s14+$0x0], $0xffff  }
0x49: {  	s26 =	simm.s32 $0x0;
	s28 =	simm.s32 $0x580;
	[tilespmem:s25+$0x0] =	vst v8;
	v5 =	vld.idx.msk [tilespmem:v14+s14+$0x0], $0xffff  }
.LBB2_3:
0x4a: {  	v6 =	vld [tilespmem:s28+$0x70];
	s26 =	sadd.s32 $0x100, s26;
	[tilespmem:s25+$0x10] =	vst v0  }
0x4b: {  	v0 =	vld [tilespmem:s28+$0xFFFFFF90];
	p1 =	slt.u32 s26, $0xF00;
	[tilespmem:s25+$0x20] =	vst v1  }
0x4c: {  	v1 =	vld [tilespmem:s28+$0xFFFFFFA0];
	[tilespmem:s25+$0x30] =	vst v2  }
0x4d: {  	v2 =	vld [tilespmem:s28+$0xFFFFFFB0];
	[tilespmem:s25+$0x40] =	vst v4  }
0x4e: {  	v4 =	vld [tilespmem:s28+$0xFFFFFFC0];
	[tilespmem:s25+$0x50] =	vst v3  }
0x4f: {  	v3 =	vld [tilespmem:s28+$0xFFFFFFD0];
	[tilespmem:s25+$0x60] =	vst v5  }
0x50: {  	v5 =	vld [tilespmem:s28+$0xFFFFFFE0]  }
0x51: {  	v7 =	vld [tilespmem:s28+$0xFFFFFFF0]  }
0x52: {  	v6 =	vld.idx.msk [tilespmem:v6+s14+$0x0], $0xffff  }
0x53: {  	v8 =	vld [tilespmem:s28+$0x0]  }
0x54: {  	v9 =	vld [tilespmem:s28+$0x10]  }
0x55: {  	v10 =	vld [tilespmem:s28+$0x20]  }
0x56: {  	v11 =	vld [tilespmem:s28+$0x30]  }
0x57: {  	s25 =	sadd.s32 $0x100, s25;
	v12 =	vld [tilespmem:s28+$0x40]  }
0x58: {  	v13 =	vld [tilespmem:s28+$0x50];
	[tilespmem:s25+$0x70] =	vst v6  }
0x59: {  	v6 =	vld [tilespmem:s28+$0x60]  }
0x5a: {  	v14 =	vld [tilespmem:s28+$0xFFFFFF80]  }
0x5b: {  	v0 =	vld.idx.msk [tilespmem:v0+s14+$0x0], $0xffff  }
0x5c: {  	v1 =	vld.idx.msk [tilespmem:v1+s14+$0x0], $0xffff  }
0x5d: {  	v2 =	vld.idx.msk [tilespmem:v2+s14+$0x0], $0xffff  }
0x5e: {  	v4 =	vld.idx.msk [tilespmem:v4+s14+$0x0], $0xffff  }
0x5f: {  	v3 =	vld.idx.msk [tilespmem:v3+s14+$0x0], $0xffff  }
0x60: {  	v5 =	vld.idx.msk [tilespmem:v5+s14+$0x0], $0xffff  }
0x61: {  	[tilespmem:s25+$0xFFFFFF90] =	vst v0;
	v7 =	vld.idx.msk [tilespmem:v7+s14+$0x0], $0xffff  }
0x62: {  	v14 =	vld.idx.msk [tilespmem:v14+s14+$0x0], $0xffff;
	[tilespmem:s25+$0xFFFFFFA0] =	vst v1  }
0x63: {  	[tilespmem:s25+$0xFFFFFFB0] =	vst v2;
	v8 =	vld.idx.msk [tilespmem:v8+s14+$0x0], $0xffff  }
0x64: {  	[tilespmem:s25+$0xFFFFFFC0] =	vst v4;
	v0 =	vld.idx.msk [tilespmem:v9+s14+$0x0], $0xffff  }
.Ltmp0:
0x65: {  	[tilespmem:s25+$0xFFFFFFD0] =	vst v3;
	v1 =	vld.idx.msk [tilespmem:v10+s14+$0x0], $0xffff;
	(pc) =	sbr.rel @p1 .LBB2_3-.Ltmp0, $4  }
0x66: {  	[tilespmem:s25+$0xFFFFFFE0] =	vst v5;
	v2 =	vld.idx.msk [tilespmem:v11+s14+$0x0], $0xffff  }
0x67: {  	[tilespmem:s25+$0xFFFFFFF0] =	vst v7;
	v4 =	vld.idx.msk [tilespmem:v12+s14+$0x0], $0xffff  }
0x68: {  	[tilespmem:s25+$0xFFFFFF80] =	vst v14;
	v3 =	vld.idx.msk [tilespmem:v13+s14+$0x0], $0xffff  }
0x69: {  	s28 =	sadd.s32 $0x100, s28;
	[tilespmem:s25+$0x0] =	vst v8;
	v5 =	vld.idx.msk [tilespmem:v6+s14+$0x0], $0xffff  }
0x6a: {  	[tilespmem:s25+$0x10] =	vst v0  }
0x6b: {  	[tilespmem:s25+$0x20] =	vst v1  }
0x6c: {  	[tilespmem:s25+$0x30] =	vst v2  }
0x6d: {  	s23 =	sshll.u32 s23, $0xE;
	s24 =	sshll.u32 s24, $0x4;
	[tilespmem:s25+$0x40] =	vst v4  }
0x6e: {  	s23 =	sor.u32 s24, s23;
	[tilespmem:s25+$0x50] =	vst v3  }
0x6f: {  	s31 =	simm.s32 $0x14F0;
	s24 =	sadd.s32 s3, s23;
	[tilespmem:s25+$0x60] =	vst v5  }
0x70: {  	[hbm4b:s24+s12] =	stream.strided.scatter [tilespmem:s18], [sflag:$0x2], $0x1000, s13, s12, $0x38;
	[tilespmem:$0x1EB00] =	vst v63  }
0x71: {  	v0 =	vld [tilespmem:s31+$0x0]  }
0x72: {  	v1 =	vld [tilespmem:s31+$0xFFFFFF20]  }
0x73: {  	v2 =	vld [tilespmem:s31+$0xFFFFFF30]  }
0x74: {  	v3 =	vld [tilespmem:s31+$0xFFFFFF40]  }
0x75: {  	v4 =	vld [tilespmem:s31+$0xFFFFFF50]  }
0x76: {  	v5 =	vld [tilespmem:s31+$0xFFFFFF60]  }
0x77: {  	v6 =	vld [tilespmem:s31+$0xFFFFFF70]  }
0x78: {  	v7 =	vld [tilespmem:s31+$0xFFFFFF80]  }
0x79: {  	v8 =	vld [tilespmem:s31+$0xFFFFFF90]  }
0x7a: {  	v9 =	vld [tilespmem:s31+$0xFFFFFFA0]  }
0x7b: {  	v10 =	vld [tilespmem:s31+$0xFFFFFFB0]  }
0x7c: {  	v11 =	vld [tilespmem:s31+$0xFFFFFFC0]  }
0x7d: {  	v12 =	vld [tilespmem:s31+$0xFFFFFFD0]  }
0x7e: {  	v13 =	vld [tilespmem:s31+$0xFFFFFFE0]  }
0x7f: {  	v14 =	vld [tilespmem:s31+$0xFFFFFFF0]  }
0x80: {  	v15 =	vld [tilespmem:s31+$0xFFFFFF10]  }
0x81: {  	v0 =	vld.idx.msk [tilespmem:v0+s14+$0x0], $0xffff  }
0x82: {  	v1 =	vld.idx.msk [tilespmem:v1+s14+$0x0], $0xffff  }
0x83: {  	v2 =	vld.idx.msk [tilespmem:v2+s14+$0x0], $0xffff  }
0x84: {  	v3 =	vld.idx.msk [tilespmem:v3+s14+$0x0], $0xffff  }
0x85: {  	v4 =	vld.idx.msk [tilespmem:v4+s14+$0x0], $0xffff  }
0x86: {  	s24 =	simm.s32 $0x1DB80;
	v5 =	vld.idx.msk [tilespmem:v5+s14+$0x0], $0xffff  }
0x87: {  	v6 =	vld.idx.msk [tilespmem:v6+s14+$0x0], $0xffff;
	[tilespmem:s24+$0x70] =	vst v0  }
0x88: {  	v7 =	vld.idx.msk [tilespmem:v7+s14+$0x0], $0xffff;
	[tilespmem:s24+$0xFFFFFF90] =	vst v1  }
0x89: {  	v15 =	vld.idx.msk [tilespmem:v15+s14+$0x0], $0xffff;
	[tilespmem:s24+$0xFFFFFFA0] =	vst v2  }
0x8a: {  	v8 =	vld.idx.msk [tilespmem:v8+s14+$0x0], $0xffff;
	[tilespmem:s24+$0xFFFFFFB0] =	vst v3  }
0x8b: {  	[tilespmem:s24+$0xFFFFFFC0] =	vst v4;
	v0 =	vld.idx.msk [tilespmem:v9+s14+$0x0], $0xffff  }
0x8c: {  	[tilespmem:s24+$0xFFFFFFD0] =	vst v5;
	v1 =	vld.idx.msk [tilespmem:v10+s14+$0x0], $0xffff  }
0x8d: {  	[tilespmem:s24+$0xFFFFFFE0] =	vst v6;
	v2 =	vld.idx.msk [tilespmem:v11+s14+$0x0], $0xffff  }
0x8e: {  	[tilespmem:s24+$0xFFFFFFF0] =	vst v7;
	v3 =	vld.idx.msk [tilespmem:v12+s14+$0x0], $0xffff  }
0x8f: {  	[tilespmem:s24+$0xFFFFFF80] =	vst v15;
	v4 =	vld.idx.msk [tilespmem:v13+s14+$0x0], $0xffff  }
0x90: {  	s26 =	simm.s32 $0x15F0;
	s25 =	simm.s32 $0x0;
	[tilespmem:s24+$0x0] =	vst v8;
	v5 =	vld.idx.msk [tilespmem:v14+s14+$0x0], $0xffff  }
.LBB2_5:
0x91: {  	v6 =	vld [tilespmem:s26+$0x0];
	s25 =	sadd.s32 $0x100, s25;
	[tilespmem:s24+$0x10] =	vst v0  }
0x92: {  	v0 =	vld [tilespmem:s26+$0xFFFFFF20];
	p1 =	slt.u32 s25, $0xF00;
	[tilespmem:s24+$0x20] =	vst v1  }
0x93: {  	v1 =	vld [tilespmem:s26+$0xFFFFFF30];
	[tilespmem:s24+$0x30] =	vst v2  }
0x94: {  	v2 =	vld [tilespmem:s26+$0xFFFFFF40];
	[tilespmem:s24+$0x40] =	vst v3  }
0x95: {  	v3 =	vld [tilespmem:s26+$0xFFFFFF50];
	[tilespmem:s24+$0x50] =	vst v4  }
0x96: {  	v4 =	vld [tilespmem:s26+$0xFFFFFF60];
	[tilespmem:s24+$0x60] =	vst v5  }
0x97: {  	v5 =	vld [tilespmem:s26+$0xFFFFFF70]  }
0x98: {  	v7 =	vld [tilespmem:s26+$0xFFFFFF80]  }
0x99: {  	v6 =	vld.idx.msk [tilespmem:v6+s14+$0x0], $0xffff  }
0x9a: {  	v8 =	vld [tilespmem:s26+$0xFFFFFF90]  }
0x9b: {  	v9 =	vld [tilespmem:s26+$0xFFFFFFA0]  }
0x9c: {  	v10 =	vld [tilespmem:s26+$0xFFFFFFB0]  }
0x9d: {  	v11 =	vld [tilespmem:s26+$0xFFFFFFC0]  }
0x9e: {  	s24 =	sadd.s32 $0x100, s24;
	v12 =	vld [tilespmem:s26+$0xFFFFFFD0]  }
0x9f: {  	v13 =	vld [tilespmem:s26+$0xFFFFFFE0];
	[tilespmem:s24+$0x70] =	vst v6  }
0xa0: {  	v6 =	vld [tilespmem:s26+$0xFFFFFFF0]  }
0xa1: {  	v14 =	vld [tilespmem:s26+$0xFFFFFF10]  }
0xa2: {  	v0 =	vld.idx.msk [tilespmem:v0+s14+$0x0], $0xffff  }
0xa3: {  	v1 =	vld.idx.msk [tilespmem:v1+s14+$0x0], $0xffff  }
0xa4: {  	v2 =	vld.idx.msk [tilespmem:v2+s14+$0x0], $0xffff  }
0xa5: {  	v3 =	vld.idx.msk [tilespmem:v3+s14+$0x0], $0xffff  }
0xa6: {  	v4 =	vld.idx.msk [tilespmem:v4+s14+$0x0], $0xffff  }
0xa7: {  	v5 =	vld.idx.msk [tilespmem:v5+s14+$0x0], $0xffff  }
0xa8: {  	[tilespmem:s24+$0xFFFFFF90] =	vst v0;
	v7 =	vld.idx.msk [tilespmem:v7+s14+$0x0], $0xffff  }
0xa9: {  	v14 =	vld.idx.msk [tilespmem:v14+s14+$0x0], $0xffff;
	[tilespmem:s24+$0xFFFFFFA0] =	vst v1  }
0xaa: {  	[tilespmem:s24+$0xFFFFFFB0] =	vst v2;
	v8 =	vld.idx.msk [tilespmem:v8+s14+$0x0], $0xffff  }
0xab: {  	[tilespmem:s24+$0xFFFFFFC0] =	vst v3;
	v0 =	vld.idx.msk [tilespmem:v9+s14+$0x0], $0xffff  }
.Ltmp1:
0xac: {  	[tilespmem:s24+$0xFFFFFFD0] =	vst v4;
	v1 =	vld.idx.msk [tilespmem:v10+s14+$0x0], $0xffff;
	(pc) =	sbr.rel @p1 .LBB2_5-.Ltmp1, $4  }
0xad: {  	[tilespmem:s24+$0xFFFFFFE0] =	vst v5;
	v2 =	vld.idx.msk [tilespmem:v11+s14+$0x0], $0xffff  }
0xae: {  	[tilespmem:s24+$0xFFFFFFF0] =	vst v7;
	v3 =	vld.idx.msk [tilespmem:v12+s14+$0x0], $0xffff  }
0xaf: {  	[tilespmem:s24+$0xFFFFFF80] =	vst v14;
	v4 =	vld.idx.msk [tilespmem:v13+s14+$0x0], $0xffff  }
0xb0: {  	s26 =	sadd.s32 $0x100, s26;
	[tilespmem:s24+$0x0] =	vst v8;
	v5 =	vld.idx.msk [tilespmem:v6+s14+$0x0], $0xffff  }
0xb1: {  	[tilespmem:s24+$0x10] =	vst v0  }
0xb2: {  	[tilespmem:s24+$0x20] =	vst v1  }
0xb3: {  	[tilespmem:s24+$0x30] =	vst v2  }
0xb4: {  	[tilespmem:s24+$0x40] =	vst v3  }
0xb5: {  	[tilespmem:s24+$0x50] =	vst v4  }
0xb6: {  	s30 =	sadd.s32 s23, s8;
	[tilespmem:s24+$0x60] =	vst v5  }
0xb7: {  	[hbm4b:s30+s12] =	stream.strided.scatter [tilespmem:s19], [sflag:$0x3], $0x1000, s13, s12, $0x38;
	[tilespmem:$0x1EB00] =	vst v63  }
0xb8: {  	_ =	swait.ge [sflag:s20], $0x1000  }
0xb9: {  	[sflag:s20] =	ssyncset.done $0x0  }
0xba: {  	s31 =	simm.s32 $0x24F0;
	[sflag:s20] =	ssyncadd.s32 $0xFFFFF000  }
0xbb: {  	v0 =	vld [tilespmem:s31+$0x0]  }
0xbc: {  	v1 =	vld [tilespmem:s31+$0xFFFFFF20]  }
0xbd: {  	v2 =	vld [tilespmem:s31+$0xFFFFFF30]  }
0xbe: {  	v3 =	vld [tilespmem:s31+$0xFFFFFF40]  }
0xbf: {  	v4 =	vld [tilespmem:s31+$0xFFFFFF50]  }
0xc0: {  	v5 =	vld [tilespmem:s31+$0xFFFFFF60]  }
0xc1: {  	v6 =	vld [tilespmem:s31+$0xFFFFFF70]  }
0xc2: {  	v7 =	vld [tilespmem:s31+$0xFFFFFF80]  }
0xc3: {  	v8 =	vld [tilespmem:s31+$0xFFFFFF90]  }
0xc4: {  	v9 =	vld [tilespmem:s31+$0xFFFFFFA0]  }
0xc5: {  	v10 =	vld [tilespmem:s31+$0xFFFFFFB0]  }
0xc6: {  	v11 =	vld [tilespmem:s31+$0xFFFFFFC0]  }
0xc7: {  	v12 =	vld [tilespmem:s31+$0xFFFFFFD0]  }
0xc8: {  	v13 =	vld [tilespmem:s31+$0xFFFFFFE0]  }
0xc9: {  	v14 =	vld [tilespmem:s31+$0xFFFFFFF0]  }
0xca: {  	v15 =	vld [tilespmem:s31+$0xFFFFFF10]  }
0xcb: {  	v0 =	vld.idx.msk [tilespmem:v0+s14+$0x0], $0xffff  }
0xcc: {  	v1 =	vld.idx.msk [tilespmem:v1+s14+$0x0], $0xffff  }
0xcd: {  	v2 =	vld.idx.msk [tilespmem:v2+s14+$0x0], $0xffff  }
0xce: {  	v3 =	vld.idx.msk [tilespmem:v3+s14+$0x0], $0xffff  }
0xcf: {  	v4 =	vld.idx.msk [tilespmem:v4+s14+$0x0], $0xffff  }
0xd0: {  	s24 =	simm.s32 $0x1CB80;
	v5 =	vld.idx.msk [tilespmem:v5+s14+$0x0], $0xffff  }
0xd1: {  	v6 =	vld.idx.msk [tilespmem:v6+s14+$0x0], $0xffff;
	[tilespmem:s24+$0x70] =	vst v0  }
0xd2: {  	v7 =	vld.idx.msk [tilespmem:v7+s14+$0x0], $0xffff;
	[tilespmem:s24+$0xFFFFFF90] =	vst v1  }
0xd3: {  	v15 =	vld.idx.msk [tilespmem:v15+s14+$0x0], $0xffff;
	[tilespmem:s24+$0xFFFFFFA0] =	vst v2  }
0xd4: {  	v8 =	vld.idx.msk [tilespmem:v8+s14+$0x0], $0xffff;
	[tilespmem:s24+$0xFFFFFFB0] =	vst v3  }
0xd5: {  	[tilespmem:s24+$0xFFFFFFC0] =	vst v4;
	v0 =	vld.idx.msk [tilespmem:v9+s14+$0x0], $0xffff  }
0xd6: {  	[tilespmem:s24+$0xFFFFFFD0] =	vst v5;
	v1 =	vld.idx.msk [tilespmem:v10+s14+$0x0], $0xffff  }
0xd7: {  	[tilespmem:s24+$0xFFFFFFE0] =	vst v6;
	v2 =	vld.idx.msk [tilespmem:v11+s14+$0x0], $0xffff  }
0xd8: {  	[tilespmem:s24+$0xFFFFFFF0] =	vst v7;
	v3 =	vld.idx.msk [tilespmem:v12+s14+$0x0], $0xffff  }
0xd9: {  	[tilespmem:s24+$0xFFFFFF80] =	vst v15;
	v4 =	vld.idx.msk [tilespmem:v13+s14+$0x0], $0xffff  }
0xda: {  	s25 =	simm.s32 $0x0;
	s26 =	simm.s32 $0x25F0;
	[tilespmem:s24+$0x0] =	vst v8;
	v5 =	vld.idx.msk [tilespmem:v14+s14+$0x0], $0xffff  }
.LBB2_7:
0xdb: {  	v6 =	vld [tilespmem:s26+$0x0];
	s25 =	sadd.s32 $0x100, s25;
	[tilespmem:s24+$0x10] =	vst v0  }
0xdc: {  	v0 =	vld [tilespmem:s26+$0xFFFFFF20];
	p1 =	slt.u32 s25, $0xF00;
	[tilespmem:s24+$0x20] =	vst v1  }
0xdd: {  	v1 =	vld [tilespmem:s26+$0xFFFFFF30];
	[tilespmem:s24+$0x30] =	vst v2  }
0xde: {  	v2 =	vld [tilespmem:s26+$0xFFFFFF40];
	[tilespmem:s24+$0x40] =	vst v3  }
0xdf: {  	v3 =	vld [tilespmem:s26+$0xFFFFFF50];
	[tilespmem:s24+$0x50] =	vst v4  }
0xe0: {  	v4 =	vld [tilespmem:s26+$0xFFFFFF60];
	[tilespmem:s24+$0x60] =	vst v5  }
0xe1: {  	v5 =	vld [tilespmem:s26+$0xFFFFFF70]  }
0xe2: {  	v7 =	vld [tilespmem:s26+$0xFFFFFF80]  }
0xe3: {  	v6 =	vld.idx.msk [tilespmem:v6+s14+$0x0], $0xffff  }
0xe4: {  	v8 =	vld [tilespmem:s26+$0xFFFFFF90]  }
0xe5: {  	v9 =	vld [tilespmem:s26+$0xFFFFFFA0]  }
0xe6: {  	v10 =	vld [tilespmem:s26+$0xFFFFFFB0]  }
0xe7: {  	v11 =	vld [tilespmem:s26+$0xFFFFFFC0]  }
0xe8: {  	s24 =	sadd.s32 $0x100, s24;
	v12 =	vld [tilespmem:s26+$0xFFFFFFD0]  }
0xe9: {  	v13 =	vld [tilespmem:s26+$0xFFFFFFE0];
	[tilespmem:s24+$0x70] =	vst v6  }
0xea: {  	v6 =	vld [tilespmem:s26+$0xFFFFFFF0]  }
0xeb: {  	v14 =	vld [tilespmem:s26+$0xFFFFFF10]  }
0xec: {  	v0 =	vld.idx.msk [tilespmem:v0+s14+$0x0], $0xffff  }
0xed: {  	v1 =	vld.idx.msk [tilespmem:v1+s14+$0x0], $0xffff  }
0xee: {  	v2 =	vld.idx.msk [tilespmem:v2+s14+$0x0], $0xffff  }
0xef: {  	v3 =	vld.idx.msk [tilespmem:v3+s14+$0x0], $0xffff  }
0xf0: {  	v4 =	vld.idx.msk [tilespmem:v4+s14+$0x0], $0xffff  }
0xf1: {  	v5 =	vld.idx.msk [tilespmem:v5+s14+$0x0], $0xffff  }
0xf2: {  	[tilespmem:s24+$0xFFFFFF90] =	vst v0;
	v7 =	vld.idx.msk [tilespmem:v7+s14+$0x0], $0xffff  }
0xf3: {  	v14 =	vld.idx.msk [tilespmem:v14+s14+$0x0], $0xffff;
	[tilespmem:s24+$0xFFFFFFA0] =	vst v1  }
0xf4: {  	[tilespmem:s24+$0xFFFFFFB0] =	vst v2;
	v8 =	vld.idx.msk [tilespmem:v8+s14+$0x0], $0xffff  }
0xf5: {  	[tilespmem:s24+$0xFFFFFFC0] =	vst v3;
	v0 =	vld.idx.msk [tilespmem:v9+s14+$0x0], $0xffff  }
.Ltmp2:
0xf6: {  	[tilespmem:s24+$0xFFFFFFD0] =	vst v4;
	v1 =	vld.idx.msk [tilespmem:v10+s14+$0x0], $0xffff;
	(pc) =	sbr.rel @p1 .LBB2_7-.Ltmp2, $4  }
0xf7: {  	[tilespmem:s24+$0xFFFFFFE0] =	vst v5;
	v2 =	vld.idx.msk [tilespmem:v11+s14+$0x0], $0xffff  }
0xf8: {  	[tilespmem:s24+$0xFFFFFFF0] =	vst v7;
	v3 =	vld.idx.msk [tilespmem:v12+s14+$0x0], $0xffff  }
0xf9: {  	[tilespmem:s24+$0xFFFFFF80] =	vst v14;
	v4 =	vld.idx.msk [tilespmem:v13+s14+$0x0], $0xffff  }
0xfa: {  	s26 =	sadd.s32 $0x100, s26;
	[tilespmem:s24+$0x0] =	vst v8;
	v5 =	vld.idx.msk [tilespmem:v6+s14+$0x0], $0xffff  }
0xfb: {  	[tilespmem:s24+$0x10] =	vst v0  }
0xfc: {  	[tilespmem:s24+$0x20] =	vst v1  }
0xfd: {  	[tilespmem:s24+$0x30] =	vst v2  }
0xfe: {  	[tilespmem:s24+$0x40] =	vst v3  }
0xff: {  	[tilespmem:s24+$0x50] =	vst v4  }
0x100: {  	s30 =	sadd.s32 s23, s9;
	[tilespmem:s24+$0x60] =	vst v5  }
0x101: {  	[hbm4b:s30+s12] =	stream.strided.scatter [tilespmem:s18], [sflag:$0x2], $0x1000, s13, s12, $0x38;
	[tilespmem:$0x1EB00] =	vst v63  }
0x102: {  	_ =	swait.ge [sflag:s21], $0x1000  }
0x103: {  	[sflag:s21] =	ssyncset.done $0x0  }
0x104: {  	s31 =	simm.s32 $0x34F0;
	[sflag:s21] =	ssyncadd.s32 $0xFFFFF000  }
0x105: {  	v0 =	vld [tilespmem:s31+$0x0]  }
0x106: {  	v1 =	vld [tilespmem:s31+$0xFFFFFF20]  }
0x107: {  	v2 =	vld [tilespmem:s31+$0xFFFFFF30]  }
0x108: {  	v3 =	vld [tilespmem:s31+$0xFFFFFF40]  }
0x109: {  	v4 =	vld [tilespmem:s31+$0xFFFFFF50]  }
0x10a: {  	v5 =	vld [tilespmem:s31+$0xFFFFFF60]  }
0x10b: {  	v6 =	vld [tilespmem:s31+$0xFFFFFF70]  }
0x10c: {  	v7 =	vld [tilespmem:s31+$0xFFFFFF80]  }
0x10d: {  	v8 =	vld [tilespmem:s31+$0xFFFFFF90]  }
0x10e: {  	v9 =	vld [tilespmem:s31+$0xFFFFFFA0]  }
0x10f: {  	v10 =	vld [tilespmem:s31+$0xFFFFFFB0]  }
0x110: {  	v11 =	vld [tilespmem:s31+$0xFFFFFFC0]  }
0x111: {  	v12 =	vld [tilespmem:s31+$0xFFFFFFD0]  }
0x112: {  	v13 =	vld [tilespmem:s31+$0xFFFFFFE0]  }
0x113: {  	v14 =	vld [tilespmem:s31+$0xFFFFFFF0]  }
0x114: {  	v15 =	vld [tilespmem:s31+$0xFFFFFF10]  }
0x115: {  	v0 =	vld.idx.msk [tilespmem:v0+s14+$0x0], $0xffff  }
0x116: {  	v1 =	vld.idx.msk [tilespmem:v1+s14+$0x0], $0xffff  }
0x117: {  	v2 =	vld.idx.msk [tilespmem:v2+s14+$0x0], $0xffff  }
0x118: {  	v3 =	vld.idx.msk [tilespmem:v3+s14+$0x0], $0xffff  }
0x119: {  	v4 =	vld.idx.msk [tilespmem:v4+s14+$0x0], $0xffff  }
0x11a: {  	s24 =	simm.s32 $0x1DB80;
	v5 =	vld.idx.msk [tilespmem:v5+s14+$0x0], $0xffff  }
0x11b: {  	v6 =	vld.idx.msk [tilespmem:v6+s14+$0x0], $0xffff;
	[tilespmem:s24+$0x70] =	vst v0  }
0x11c: {  	v7 =	vld.idx.msk [tilespmem:v7+s14+$0x0], $0xffff;
	[tilespmem:s24+$0xFFFFFF90] =	vst v1  }
0x11d: {  	v15 =	vld.idx.msk [tilespmem:v15+s14+$0x0], $0xffff;
	[tilespmem:s24+$0xFFFFFFA0] =	vst v2  }
0x11e: {  	v8 =	vld.idx.msk [tilespmem:v8+s14+$0x0], $0xffff;
	[tilespmem:s24+$0xFFFFFFB0] =	vst v3  }
0x11f: {  	[tilespmem:s24+$0xFFFFFFC0] =	vst v4;
	v0 =	vld.idx.msk [tilespmem:v9+s14+$0x0], $0xffff  }
0x120: {  	[tilespmem:s24+$0xFFFFFFD0] =	vst v5;
	v1 =	vld.idx.msk [tilespmem:v10+s14+$0x0], $0xffff  }
0x121: {  	[tilespmem:s24+$0xFFFFFFE0] =	vst v6;
	v2 =	vld.idx.msk [tilespmem:v11+s14+$0x0], $0xffff  }
0x122: {  	[tilespmem:s24+$0xFFFFFFF0] =	vst v7;
	v3 =	vld.idx.msk [tilespmem:v12+s14+$0x0], $0xffff  }
0x123: {  	[tilespmem:s24+$0xFFFFFF80] =	vst v15;
	v4 =	vld.idx.msk [tilespmem:v13+s14+$0x0], $0xffff  }
0x124: {  	s25 =	simm.s32 $0x0;
	s26 =	simm.s32 $0x35F0;
	[tilespmem:s24+$0x0] =	vst v8;
	v5 =	vld.idx.msk [tilespmem:v14+s14+$0x0], $0xffff  }
.LBB2_9:
0x125: {  	v6 =	vld [tilespmem:s26+$0x0];
	s25 =	sadd.s32 $0x100, s25;
	[tilespmem:s24+$0x10] =	vst v0  }
0x126: {  	v0 =	vld [tilespmem:s26+$0xFFFFFF20];
	p1 =	slt.u32 s25, $0xF00;
	[tilespmem:s24+$0x20] =	vst v1  }
0x127: {  	v1 =	vld [tilespmem:s26+$0xFFFFFF30];
	[tilespmem:s24+$0x30] =	vst v2  }
0x128: {  	v2 =	vld [tilespmem:s26+$0xFFFFFF40];
	[tilespmem:s24+$0x40] =	vst v3  }
0x129: {  	v3 =	vld [tilespmem:s26+$0xFFFFFF50];
	[tilespmem:s24+$0x50] =	vst v4  }
0x12a: {  	v4 =	vld [tilespmem:s26+$0xFFFFFF60];
	[tilespmem:s24+$0x60] =	vst v5  }
0x12b: {  	v5 =	vld [tilespmem:s26+$0xFFFFFF70]  }
0x12c: {  	v7 =	vld [tilespmem:s26+$0xFFFFFF80]  }
0x12d: {  	v6 =	vld.idx.msk [tilespmem:v6+s14+$0x0], $0xffff  }
0x12e: {  	v8 =	vld [tilespmem:s26+$0xFFFFFF90]  }
0x12f: {  	v9 =	vld [tilespmem:s26+$0xFFFFFFA0]  }
0x130: {  	v10 =	vld [tilespmem:s26+$0xFFFFFFB0]  }
0x131: {  	v11 =	vld [tilespmem:s26+$0xFFFFFFC0]  }
0x132: {  	s24 =	sadd.s32 $0x100, s24;
	v12 =	vld [tilespmem:s26+$0xFFFFFFD0]  }
0x133: {  	v13 =	vld [tilespmem:s26+$0xFFFFFFE0];
	[tilespmem:s24+$0x70] =	vst v6  }
0x134: {  	v6 =	vld [tilespmem:s26+$0xFFFFFFF0]  }
0x135: {  	v14 =	vld [tilespmem:s26+$0xFFFFFF10]  }
0x136: {  	v0 =	vld.idx.msk [tilespmem:v0+s14+$0x0], $0xffff  }
0x137: {  	v1 =	vld.idx.msk [tilespmem:v1+s14+$0x0], $0xffff  }
0x138: {  	v2 =	vld.idx.msk [tilespmem:v2+s14+$0x0], $0xffff  }
0x139: {  	v3 =	vld.idx.msk [tilespmem:v3+s14+$0x0], $0xffff  }
0x13a: {  	v4 =	vld.idx.msk [tilespmem:v4+s14+$0x0], $0xffff  }
0x13b: {  	v5 =	vld.idx.msk [tilespmem:v5+s14+$0x0], $0xffff  }
0x13c: {  	[tilespmem:s24+$0xFFFFFF90] =	vst v0;
	v7 =	vld.idx.msk [tilespmem:v7+s14+$0x0], $0xffff  }
0x13d: {  	v14 =	vld.idx.msk [tilespmem:v14+s14+$0x0], $0xffff;
	[tilespmem:s24+$0xFFFFFFA0] =	vst v1  }
0x13e: {  	[tilespmem:s24+$0xFFFFFFB0] =	vst v2;
	v8 =	vld.idx.msk [tilespmem:v8+s14+$0x0], $0xffff  }
0x13f: {  	[tilespmem:s24+$0xFFFFFFC0] =	vst v3;
	v0 =	vld.idx.msk [tilespmem:v9+s14+$0x0], $0xffff  }
.Ltmp3:
0x140: {  	[tilespmem:s24+$0xFFFFFFD0] =	vst v4;
	v1 =	vld.idx.msk [tilespmem:v10+s14+$0x0], $0xffff;
	(pc) =	sbr.rel @p1 .LBB2_9-.Ltmp3, $4  }
0x141: {  	[tilespmem:s24+$0xFFFFFFE0] =	vst v5;
	v2 =	vld.idx.msk [tilespmem:v11+s14+$0x0], $0xffff  }
0x142: {  	[tilespmem:s24+$0xFFFFFFF0] =	vst v7;
	v3 =	vld.idx.msk [tilespmem:v12+s14+$0x0], $0xffff  }
0x143: {  	[tilespmem:s24+$0xFFFFFF80] =	vst v14;
	v4 =	vld.idx.msk [tilespmem:v13+s14+$0x0], $0xffff  }
0x144: {  	s26 =	sadd.s32 $0x100, s26;
	[tilespmem:s24+$0x0] =	vst v8;
	v5 =	vld.idx.msk [tilespmem:v6+s14+$0x0], $0xffff  }
0x145: {  	[tilespmem:s24+$0x10] =	vst v0  }
0x146: {  	[tilespmem:s24+$0x20] =	vst v1  }
0x147: {  	[tilespmem:s24+$0x30] =	vst v2  }
0x148: {  	[tilespmem:s24+$0x40] =	vst v3  }
0x149: {  	[tilespmem:s24+$0x50] =	vst v4  }
0x14a: {  	s23 =	sadd.s32 s23, s10;
	s22 =	sadd.s32 $0x1, s22;
	[tilespmem:s24+$0x60] =	vst v5  }
0x14b: {  	[hbm4b:s23+s12] =	stream.strided.scatter [tilespmem:s19], [sflag:$0x3], $0x1000, s13, s12, $0x38;
	[tilespmem:$0x1EB00] =	vst v63  }
0x14c: {  	p1 =	sne.s32 s22, $0xD;
	_ =	swait.ge [sflag:s20], $0x1000  }
.Ltmp4:
0x14d: {  	[sflag:s20] =	ssyncset.done $0x0;
	(pc) =	sbr.rel @p1 .LBB2_2-.Ltmp4, $4  }
0x14e: {  	[sflag:s20] =	ssyncadd.s32 $0xFFFFF000  }
0x14f: {  	_ =	swait.ge [sflag:s21], $0x1000  }
0x150: {  	[sflag:s21] =	ssyncset.done $0x0  }
0x151: {  	[sflag:s21] =	ssyncadd.s32 $0xFFFFF000  }
0x152: {  	s5 =	sadd.s32 $0x1, s5  }
0x153: {  	p1 =	sne.s32 s5, s11  }
.Ltmp5:
0x154: {  	_ = 	snop;
	(pc) =	sbr.rel @p1 .LBB2_1-.Ltmp5, $1  }
0x155: {  	_ =	sdelay $0x3  }
0x156: {  	_ =	sfence.sel $0x180000  }
0x157: {  	[bflag:$0x0] =	sbarrier.arrive $0xFFFF  }
0x158: {  	_ =	strace $0x90000047  }
0x159: {  	s0 =	sadd.s32 @!p0 $0x100000, s2;
	[bflag:$0x2] =	sbarrier.arrive $0xFFFF  }
0x15a: {  	[sflag:s0] =	ssyncadd.tile.s32 @!p0 $0x1;
	_ =	shalt  }
.Lfunc_end2:
_tile_overlayer_lowered:
.L_overlay_start_2:
0x15b: {  	(tag) =	ssettag $0x2  }
0x15c: {  	s0 =	rddreg [dreg:$0x0];
	s2 =	stileid.u32  }
0x15d: {  	s1 =	rddreg [dreg:$0x1];
	p0 =	sne.s32 s2, $0x0  }
0x15e: {  	s3 =	rddreg [dreg:$0x2];
	[bflag:$0x3] =	sbarrier.arrive $0xFFFF;
	s2 =	simm.s32 @!p0 $0x1C04  }
0x15f: {  	[timem:s3], [sflag:s2] =	dma.local @!p0 [hbm:s0], s1  }
0x160: {  	s0 =	simm.s32 @!p0 $0x4  }
0x161: {  	_ =	swait.ge @!p0 [sflag:s0], s1  }
0x162: {  	s1 =	ssub.s32 @!p0 $0x0, s1;
	[sflag:s0] =	ssyncset.done @!p0 $0x0  }
0x163: {  	[sflag:s0] =	ssyncadd.s32 @!p0 s1  }
0x164: {  	[bflag:$0x3] =	sbarrier.arrive $0xFFFF  }
0x165: {  	_ =	shalt  }

</sc_bundles>
